<compile_context>
chip_gen: v7x
topology: tpu7x:2x2x1
jax: 0.10.2.dev20260603
libtpu: 0.0.44.dev20260713+nightly
codegen_flags: <defaults>
</compile_context>

<pallas_src>
import functools

import jax
import jax.numpy as jnp
from jax import lax
from jax.experimental import pallas as pl
from jax.experimental.pallas import tpu as pltpu
from jax.experimental.pallas import tpu_sc as plsc

_EPS = 0.0625
_BIAS = 16
_NUM_BINS = 32
_DIM = 8
_B = 32
_N = 65536
_L = 16
_NVEC = _N // _L

_LOG2_COEFS = (
    -3.2352173989400432,
    7.085137105801437,
    -7.396217425988054,
    5.673590686821274,
    -2.9145355423874335,
    0.9507575024148396,
    -0.17811286740288335,
    0.014598750758100017,
)


def _log2_via_bits(x):
    b = lax.bitcast_convert_type(x, jnp.int32)
    e = lax.shift_right_logical(b, 23) - 127
    m = lax.bitcast_convert_type(
        (b & jnp.int32(0x7FFFFF)) | jnp.int32(0x3F800000), jnp.float32)
    p = jnp.full((_L,), _LOG2_COEFS[7], dtype=jnp.float32)
    for c in _LOG2_COEFS[6::-1]:
        p = p * m + jnp.float32(c)
    return e.astype(jnp.float32) + p


_NCHUNK = 4
_CH = _N // _NCHUNK
_CHVEC = _CH // _L


def _sc_body(cosine_hbm, embs_hbm, out_hbm, buf0_v, buf1_v, counts_v, embs_v,
             lc_v, outrow_v, sem0, sem1):
    nc = 2
    wid = lax.axis_index("s") * nc + lax.axis_index("c")

    sems = (sem0, sem1)
    bufs = (buf0_v, buf1_v)
    copies = [None, None]
    copies[0] = pltpu.async_copy(
        cosine_hbm.at[wid, pl.ds(0, _CH)], bufs[0], sems[0])
    pltpu.sync_copy(embs_hbm, embs_v)

    zeros = jnp.zeros((_L,), jnp.float32)
    for i in range(_NUM_BINS):
        counts_v[pl.ds(i * _L, _L)] = zeros

    lane = lax.iota(jnp.int32, _L)
    ones = jnp.ones((_L,), jnp.float32)
    topf = jnp.full((_L,), 31.5, dtype=jnp.float32)

    for g in range(_NCHUNK):
        if g + 1 < _NCHUNK:
            copies[(g + 1) % 2] = pltpu.async_copy(
                cosine_hbm.at[wid, pl.ds((g + 1) * _CH, _CH)],
                bufs[(g + 1) % 2], sems[(g + 1) % 2])
        copies[g % 2].wait()
        chunk = bufs[g % 2]

        @plsc.parallel_loop(0, _CHVEC, unroll=8)
        def _(i):
            c = chunk[pl.ds(i * _L, _L)]
            t = c * jnp.float32(1.0 / _EPS) + jnp.float32(_BIAS)
            t = jnp.minimum(t, topf)
            iv = t.astype(jnp.int32)
            idx = lax.shift_left(iv, 4) + lane
            plsc.addupdate_scatter(counts_v, [idx], ones)

    for b in range(_NUM_BINS):
        counts_v[pl.ds(b * _L, _L)] = plsc.cumsum(counts_v[pl.ds(b * _L, _L)])
    idxh = lane * _L + 15
    acc0 = plsc.load_gather(counts_v, [idxh])
    acc1 = plsc.load_gather(counts_v, [idxh + _L * _L])

    lc_v[pl.ds(0, _L)] = _log2_via_bits(acc0 + jnp.float32(1.0))
    lc_v[pl.ds(_L, _L)] = _log2_via_bits(acc1 + jnp.float32(1.0))

    for v in range(_NUM_BINS * _DIM // _L):
        idxv = lax.shift_right_logical(lane + (_L * v), 3)
        lcx = plsc.load_gather(lc_v, [idxv])
        emb = embs_v[pl.ds(_L * v, _L)]
        outrow_v[pl.ds(_L * v, _L)] = lcx * emb

    pltpu.sync_copy(outrow_v, out_hbm.at[wid])


@jax.jit
def _run(cosine, embs_flat):
    mesh = plsc.VectorSubcoreMesh(core_axis_name="c", subcore_axis_name="s")
    f = functools.partial(
        pl.kernel,
        mesh=mesh,
        compiler_params=pltpu.CompilerParams(
            needs_layout_passes=False,
            disable_bounds_checks=True,
            disable_semaphore_checks=True,
            skip_device_barrier=True,
        ),
        out_type=jax.ShapeDtypeStruct((_B, _NUM_BINS * _DIM), jnp.float32),
        scratch_types=[
            pltpu.VMEM((_CH,), jnp.float32),
            pltpu.VMEM((_CH,), jnp.float32),
            pltpu.VMEM((_NUM_BINS * _L,), jnp.float32),
            pltpu.VMEM((_NUM_BINS * _DIM,), jnp.float32),
            pltpu.VMEM((_NUM_BINS,), jnp.float32),
            pltpu.VMEM((_NUM_BINS * _DIM,), jnp.float32),
            pltpu.SemaphoreType.DMA,
            pltpu.SemaphoreType.DMA,
        ],
    )(_sc_body)
    return f(cosine, embs_flat)


def kernel(cosine, bin_embs):
    return _run(cosine, bin_embs.reshape(-1))

# --- scband reference (transcript-rebuilt; emitter-appended) ---
"""Pipeline reference for scband-deep-set-level-embedding-26774826123403 (READ-ONLY COPY).

The authoritative reference and input builder live on the scoring server;
editing this copy changes nothing except your own understanding.
"""

import jax, jax.numpy as jnp
import numpy as np

EPS = 0.0625
BIAS = int(1 / EPS)
NUM_BINS = 2 * BIAS
DIM = 8
B = 32
N = 65536


def setup_inputs(seed: int = 0) -> dict:
    key = jax.random.key(seed)
    k1, k2 = jax.random.split(key)
    # cosine values: uniform in [-1, 1] to cover all bins
    cosine = jax.random.uniform(k1, (B, N), dtype=jnp.float32, minval=-1.0, maxval=1.0)
    bin_embs = jax.random.normal(k2, (NUM_BINS, DIM), dtype=jnp.float32) * 0.01
    return {"cosine": cosine, "bin_embs": bin_embs}


def reference(cosine, bin_embs):
    c = jnp.clip(cosine, -0.999, 0.999)
    ids = jnp.floor(c / EPS).astype(jnp.int64) + BIAS
    range_bins = jnp.arange(NUM_BINS, dtype=jnp.int64).reshape(1, NUM_BINS, 1)
    weight = (range_bins == ids[:, None, :]).astype(jnp.float32)
    log_counts = jnp.log2(jnp.sum(weight, axis=2, keepdims=True) + 1.0)
    weighted_bins = log_counts * bin_embs[None, :, :]
    output = weighted_bins.reshape(cosine.shape[0], -1)
    return output

if __name__ == "__main__":
    import jax
    _d = setup_inputs()
    print(jax.jit(kernel)(*tuple(_d.values())))

</pallas_src>

<mosaic_0001>
#map = affine_map<(d0, d1) -> (0, 0)>
#map1 = affine_map<(d0, d1) -> (0)>
module attributes {stable_mosaic.version = 14 : i64} {
  func.func @_sc_body(%arg0: i32, %arg1: i32, %arg2: memref<32x65536xf32, #tpu.memory_space<hbm>>, %arg3: memref<256xf32, #tpu.memory_space<hbm>>, %arg4: memref<32x256xf32, #tpu.memory_space<hbm>>, %arg5: memref<16384xf32, #tpu.memory_space<vmem>>, %arg6: memref<16384xf32, #tpu.memory_space<vmem>>, %arg7: memref<512xf32, #tpu.memory_space<vmem>>, %arg8: memref<256xf32, #tpu.memory_space<vmem>>, %arg9: memref<32xf32, #tpu.memory_space<vmem>>, %arg10: memref<256xf32, #tpu.memory_space<vmem>>, %arg11: memref<!tpu.dma_semaphore, #tpu.memory_space<semaphore_mem>>, %arg12: memref<!tpu.dma_semaphore, #tpu.memory_space<semaphore_mem>>) attributes {dimension_semantics = [#tpu.dimension_semantics<core_parallel>, #tpu.dimension_semantics<subcore_parallel>], iteration_bounds = array<i64: 2, 16>, scalar_prefetch = 0 : i64, scratch_operands = 8 : i64, tpu.core_type = #tpu.core_type<sc_vector_subcore>, window_params = [{transform_indices = #map}, {transform_indices = #map1}, {transform_indices = #map}]} {
    %mul3A = arith.constant 2 : i32
    %mul3A_0 = arith.muli %arg1, %mul3A : i32
    %add3A = arith.addi %mul3A_0, %arg0 : i32
    %dma_start3A = arith.constant 0 : i32
    %dma_start3A_1 = tpu.memref_slice %arg2[%add3A, %dma_start3A] : memref<32x65536xf32, #tpu.memory_space<hbm>> -> memref<1x16384xf32, #tpu.memory_space<hbm>>
    %dma_start3A_2 = tpu.memref_squeeze %dma_start3A_1 : memref<1x16384xf32, #tpu.memory_space<hbm>> -> memref<16384xf32, #tpu.memory_space<hbm>>
    %dma_start3A_3 = arith.constant 0 : i32
    %dma_start3A_4 = tpu.memref_slice %arg2[%add3A, %dma_start3A_3] : memref<32x65536xf32, #tpu.memory_space<hbm>> -> memref<1x16384xf32, #tpu.memory_space<hbm>>
    %dma_start3A_5 = tpu.memref_squeeze %dma_start3A_4 : memref<1x16384xf32, #tpu.memory_space<hbm>> -> memref<16384xf32, #tpu.memory_space<hbm>>
    tpu.enqueue_dma source(%dma_start3A_5 : memref<16384xf32, #tpu.memory_space<hbm>>) target(%arg5 : memref<16384xf32, #tpu.memory_space<vmem>>) target_semaphore(%arg11 : memref<!tpu.dma_semaphore, #tpu.memory_space<semaphore_mem>>)
    "tpu.region"() ({
      %run_scoped3A = tpu.sem_alloc : memref<!tpu.dma_semaphore, #tpu.memory_space<semaphore_mem>>
      tpu.enqueue_dma source(%arg3 : memref<256xf32, #tpu.memory_space<hbm>>) target(%arg8 : memref<256xf32, #tpu.memory_space<vmem>>) target_semaphore(%run_scoped3A : memref<!tpu.dma_semaphore, #tpu.memory_space<semaphore_mem>>)
      tpu.wait_dma2 semaphore(%run_scoped3A : memref<!tpu.dma_semaphore, #tpu.memory_space<semaphore_mem>>) src(%arg3 : memref<256xf32, #tpu.memory_space<hbm>>) dst(%arg8 : memref<256xf32, #tpu.memory_space<vmem>>)
      tpu.yield
    }) : () -> ()
    %broadcast_in_dim3A = arith.constant 0.000000e+00 : f32
    %broadcast_in_dim3A_6 = vector.broadcast %broadcast_in_dim3A : f32 to vector<16xf32>
    %swap3A = arith.constant 0 : index
    %swap3A_7 = tpu.vector_load %arg7[%swap3A] {strides = array<i32>} : memref<512xf32, #tpu.memory_space<vmem>>, vector<16xf32>,
    tpu.vector_store %arg7[%swap3A], %broadcast_in_dim3A_6 {strides = array<i32>} : memref<512xf32, #tpu.memory_space<vmem>>, vector<16xf32>,
    %swap3A_8 = arith.constant 16 : index
    %swap3A_9 = tpu.vector_load %arg7[%swap3A_8] {strides = array<i32>} : memref<512xf32, #tpu.memory_space<vmem>>, vector<16xf32>,
    tpu.vector_store %arg7[%swap3A_8], %broadcast_in_dim3A_6 {strides = array<i32>} : memref<512xf32, #tpu.memory_space<vmem>>, vector<16xf32>,
    %swap3A_10 = arith.constant 32 : index
    %swap3A_11 = tpu.vector_load %arg7[%swap3A_10] {strides = array<i32>} : memref<512xf32, #tpu.memory_space<vmem>>, vector<16xf32>,
    tpu.vector_store %arg7[%swap3A_10], %broadcast_in_dim3A_6 {strides = array<i32>} : memref<512xf32, #tpu.memory_space<vmem>>, vector<16xf32>,
    %swap3A_12 = arith.constant 48 : index
    %swap3A_13 = tpu.vector_load %arg7[%swap3A_12] {strides = array<i32>} : memref<512xf32, #tpu.memory_space<vmem>>, vector<16xf32>,
    tpu.vector_store %arg7[%swap3A_12], %broadcast_in_dim3A_6 {strides = array<i32>} : memref<512xf32, #tpu.memory_space<vmem>>, vector<16xf32>,
    %swap3A_14 = arith.constant 64 : index
    %swap3A_15 = tpu.vector_load %arg7[%swap3A_14] {strides = array<i32>} : memref<512xf32, #tpu.memory_space<vmem>>, vector<16xf32>,
    tpu.vector_store %arg7[%swap3A_14], %broadcast_in_dim3A_6 {strides = array<i32>} : memref<512xf32, #tpu.memory_space<vmem>>, vector<16xf32>,
    %swap3A_16 = arith.constant 80 : index
    %swap3A_17 = tpu.vector_load %arg7[%swap3A_16] {strides = array<i32>} : memref<512xf32, #tpu.memory_space<vmem>>, vector<16xf32>,
    tpu.vector_store %arg7[%swap3A_16], %broadcast_in_dim3A_6 {strides = array<i32>} : memref<512xf32, #tpu.memory_space<vmem>>, vector<16xf32>,
    %swap3A_18 = arith.constant 96 : index
    %swap3A_19 = tpu.vector_load %arg7[%swap3A_18] {strides = array<i32>} : memref<512xf32, #tpu.memory_space<vmem>>, vector<16xf32>,
    tpu.vector_store %arg7[%swap3A_18], %broadcast_in_dim3A_6 {strides = array<i32>} : memref<512xf32, #tpu.memory_space<vmem>>, vector<16xf32>,
    %swap3A_20 = arith.constant 112 : index
    %swap3A_21 = tpu.vector_load %arg7[%swap3A_20] {strides = array<i32>} : memref<512xf32, #tpu.memory_space<vmem>>, vector<16xf32>,
    tpu.vector_store %arg7[%swap3A_20], %broadcast_in_dim3A_6 {strides = array<i32>} : memref<512xf32, #tpu.memory_space<vmem>>, vector<16xf32>,
    %swap3A_22 = arith.constant 128 : index
    %swap3A_23 = tpu.vector_load %arg7[%swap3A_22] {strides = array<i32>} : memref<512xf32, #tpu.memory_space<vmem>>, vector<16xf32>,
    tpu.vector_store %arg7[%swap3A_22], %broadcast_in_dim3A_6 {strides = array<i32>} : memref<512xf32, #tpu.memory_space<vmem>>, vector<16xf32>,
    %swap3A_24 = arith.constant 144 : index
    %swap3A_25 = tpu.vector_load %arg7[%swap3A_24] {strides = array<i32>} : memref<512xf32, #tpu.memory_space<vmem>>, vector<16xf32>,
    tpu.vector_store %arg7[%swap3A_24], %broadcast_in_dim3A_6 {strides = array<i32>} : memref<512xf32, #tpu.memory_space<vmem>>, vector<16xf32>,
    %swap3A_26 = arith.constant 160 : index
    %swap3A_27 = tpu.vector_load %arg7[%swap3A_26] {strides = array<i32>} : memref<512xf32, #tpu.memory_space<vmem>>, vector<16xf32>,
    tpu.vector_store %arg7[%swap3A_26], %broadcast_in_dim3A_6 {strides = array<i32>} : memref<512xf32, #tpu.memory_space<vmem>>, vector<16xf32>,
    %swap3A_28 = arith.constant 176 : index
    %swap3A_29 = tpu.vector_load %arg7[%swap3A_28] {strides = array<i32>} : memref<512xf32, #tpu.memory_space<vmem>>, vector<16xf32>,
    tpu.vector_store %arg7[%swap3A_28], %broadcast_in_dim3A_6 {strides = array<i32>} : memref<512xf32, #tpu.memory_space<vmem>>, vector<16xf32>,
    %swap3A_30 = arith.constant 192 : index
    %swap3A_31 = tpu.vector_load %arg7[%swap3A_30] {strides = array<i32>} : memref<512xf32, #tpu.memory_space<vmem>>, vector<16xf32>,
    tpu.vector_store %arg7[%swap3A_30], %broadcast_in_dim3A_6 {strides = array<i32>} : memref<512xf32, #tpu.memory_space<vmem>>, vector<16xf32>,
    %swap3A_32 = arith.constant 208 : index
    %swap3A_33 = tpu.vector_load %arg7[%swap3A_32] {strides = array<i32>} : memref<512xf32, #tpu.memory_space<vmem>>, vector<16xf32>,
    tpu.vector_store %arg7[%swap3A_32], %broadcast_in_dim3A_6 {strides = array<i32>} : memref<512xf32, #tpu.memory_space<vmem>>, vector<16xf32>,
    %swap3A_34 = arith.constant 224 : index
    %swap3A_35 = tpu.vector_load %arg7[%swap3A_34] {strides = array<i32>} : memref<512xf32, #tpu.memory_space<vmem>>, vector<16xf32>,
    tpu.vector_store %arg7[%swap3A_34], %broadcast_in_dim3A_6 {strides = array<i32>} : memref<512xf32, #tpu.memory_space<vmem>>, vector<16xf32>,
    %swap3A_36 = arith.constant 240 : index
    %swap3A_37 = tpu.vector_load %arg7[%swap3A_36] {strides = array<i32>} : memref<512xf32, #tpu.memory_space<vmem>>, vector<16xf32>,
    tpu.vector_store %arg7[%swap3A_36], %broadcast_in_dim3A_6 {strides = array<i32>} : memref<512xf32, #tpu.memory_space<vmem>>, vector<16xf32>,
    %swap3A_38 = arith.constant 256 : index
    %swap3A_39 = tpu.vector_load %arg7[%swap3A_38] {strides = array<i32>} : memref<512xf32, #tpu.memory_space<vmem>>, vector<16xf32>,
    tpu.vector_store %arg7[%swap3A_38], %broadcast_in_dim3A_6 {strides = array<i32>} : memref<512xf32, #tpu.memory_space<vmem>>, vector<16xf32>,
    %swap3A_40 = arith.constant 272 : index
    %swap3A_41 = tpu.vector_load %arg7[%swap3A_40] {strides = array<i32>} : memref<512xf32, #tpu.memory_space<vmem>>, vector<16xf32>,
    tpu.vector_store %arg7[%swap3A_40], %broadcast_in_dim3A_6 {strides = array<i32>} : memref<512xf32, #tpu.memory_space<vmem>>, vector<16xf32>,
    %swap3A_42 = arith.constant 288 : index
    %swap3A_43 = tpu.vector_load %arg7[%swap3A_42] {strides = array<i32>} : memref<512xf32, #tpu.memory_space<vmem>>, vector<16xf32>,
    tpu.vector_store %arg7[%swap3A_42], %broadcast_in_dim3A_6 {strides = array<i32>} : memref<512xf32, #tpu.memory_space<vmem>>, vector<16xf32>,
    %swap3A_44 = arith.constant 304 : index
    %swap3A_45 = tpu.vector_load %arg7[%swap3A_44] {strides = array<i32>} : memref<512xf32, #tpu.memory_space<vmem>>, vector<16xf32>,
    tpu.vector_store %arg7[%swap3A_44], %broadcast_in_dim3A_6 {strides = array<i32>} : memref<512xf32, #tpu.memory_space<vmem>>, vector<16xf32>,
    %swap3A_46 = arith.constant 320 : index
    %swap3A_47 = tpu.vector_load %arg7[%swap3A_46] {strides = array<i32>} : memref<512xf32, #tpu.memory_space<vmem>>, vector<16xf32>,
    tpu.vector_store %arg7[%swap3A_46], %broadcast_in_dim3A_6 {strides = array<i32>} : memref<512xf32, #tpu.memory_space<vmem>>, vector<16xf32>,
    %swap3A_48 = arith.constant 336 : index
    %swap3A_49 = tpu.vector_load %arg7[%swap3A_48] {strides = array<i32>} : memref<512xf32, #tpu.memory_space<vmem>>, vector<16xf32>,
    tpu.vector_store %arg7[%swap3A_48], %broadcast_in_dim3A_6 {strides = array<i32>} : memref<512xf32, #tpu.memory_space<vmem>>, vector<16xf32>,
    %swap3A_50 = arith.constant 352 : index
    %swap3A_51 = tpu.vector_load %arg7[%swap3A_50] {strides = array<i32>} : memref<512xf32, #tpu.memory_space<vmem>>, vector<16xf32>,
    tpu.vector_store %arg7[%swap3A_50], %broadcast_in_dim3A_6 {strides = array<i32>} : memref<512xf32, #tpu.memory_space<vmem>>, vector<16xf32>,
    %swap3A_52 = arith.constant 368 : index
    %swap3A_53 = tpu.vector_load %arg7[%swap3A_52] {strides = array<i32>} : memref<512xf32, #tpu.memory_space<vmem>>, vector<16xf32>,
    tpu.vector_store %arg7[%swap3A_52], %broadcast_in_dim3A_6 {strides = array<i32>} : memref<512xf32, #tpu.memory_space<vmem>>, vector<16xf32>,
    %swap3A_54 = arith.constant 384 : index
    %swap3A_55 = tpu.vector_load %arg7[%swap3A_54] {strides = array<i32>} : memref<512xf32, #tpu.memory_space<vmem>>, vector<16xf32>,
    tpu.vector_store %arg7[%swap3A_54], %broadcast_in_dim3A_6 {strides = array<i32>} : memref<512xf32, #tpu.memory_space<vmem>>, vector<16xf32>,
    %swap3A_56 = arith.constant 400 : index
    %swap3A_57 = tpu.vector_load %arg7[%swap3A_56] {strides = array<i32>} : memref<512xf32, #tpu.memory_space<vmem>>, vector<16xf32>,
    tpu.vector_store %arg7[%swap3A_56], %broadcast_in_dim3A_6 {strides = array<i32>} : memref<512xf32, #tpu.memory_space<vmem>>, vector<16xf32>,
    %swap3A_58 = arith.constant 416 : index
    %swap3A_59 = tpu.vector_load %arg7[%swap3A_58] {strides = array<i32>} : memref<512xf32, #tpu.memory_space<vmem>>, vector<16xf32>,
    tpu.vector_store %arg7[%swap3A_58], %broadcast_in_dim3A_6 {strides = array<i32>} : memref<512xf32, #tpu.memory_space<vmem>>, vector<16xf32>,
    %swap3A_60 = arith.constant 432 : index
    %swap3A_61 = tpu.vector_load %arg7[%swap3A_60] {strides = array<i32>} : memref<512xf32, #tpu.memory_space<vmem>>, vector<16xf32>,
    tpu.vector_store %arg7[%swap3A_60], %broadcast_in_dim3A_6 {strides = array<i32>} : memref<512xf32, #tpu.memory_space<vmem>>, vector<16xf32>,
    %swap3A_62 = arith.constant 448 : index
    %swap3A_63 = tpu.vector_load %arg7[%swap3A_62] {strides = array<i32>} : memref<512xf32, #tpu.memory_space<vmem>>, vector<16xf32>,
    tpu.vector_store %arg7[%swap3A_62], %broadcast_in_dim3A_6 {strides = array<i32>} : memref<512xf32, #tpu.memory_space<vmem>>, vector<16xf32>,
    %swap3A_64 = arith.constant 464 : index
    %swap3A_65 = tpu.vector_load %arg7[%swap3A_64] {strides = array<i32>} : memref<512xf32, #tpu.memory_space<vmem>>, vector<16xf32>,
    tpu.vector_store %arg7[%swap3A_64], %broadcast_in_dim3A_6 {strides = array<i32>} : memref<512xf32, #tpu.memory_space<vmem>>, vector<16xf32>,
    %swap3A_66 = arith.constant 480 : index
    %swap3A_67 = tpu.vector_load %arg7[%swap3A_66] {strides = array<i32>} : memref<512xf32, #tpu.memory_space<vmem>>, vector<16xf32>,
    tpu.vector_store %arg7[%swap3A_66], %broadcast_in_dim3A_6 {strides = array<i32>} : memref<512xf32, #tpu.memory_space<vmem>>, vector<16xf32>,
    %swap3A_68 = arith.constant 496 : index
    %swap3A_69 = tpu.vector_load %arg7[%swap3A_68] {strides = array<i32>} : memref<512xf32, #tpu.memory_space<vmem>>, vector<16xf32>,
    tpu.vector_store %arg7[%swap3A_68], %broadcast_in_dim3A_6 {strides = array<i32>} : memref<512xf32, #tpu.memory_space<vmem>>, vector<16xf32>,
    %iota3A = tpu.iota {dimensions = array<i32: 0>} : vector<16xi32>
    %broadcast_in_dim3A_70 = arith.constant 1.000000e+00 : f32
    %broadcast_in_dim3A_71 = vector.broadcast %broadcast_in_dim3A_70 : f32 to vector<16xf32>
    %broadcast_in_dim3A_72 = arith.constant 3.150000e+01 : f32
    %broadcast_in_dim3A_73 = vector.broadcast %broadcast_in_dim3A_72 : f32 to vector<16xf32>
    %dma_start3A_74 = arith.constant 16384 : i32
    %dma_start3A_75 = tpu.memref_slice %arg2[%add3A, %dma_start3A_74] : memref<32x65536xf32, #tpu.memory_space<hbm>> -> memref<1x16384xf32, #tpu.memory_space<hbm>>
    %dma_start3A_76 = tpu.memref_squeeze %dma_start3A_75 : memref<1x16384xf32, #tpu.memory_space<hbm>> -> memref<16384xf32, #tpu.memory_space<hbm>>
    %dma_start3A_77 = arith.constant 16384 : i32
    %dma_start3A_78 = tpu.memref_slice %arg2[%add3A, %dma_start3A_77] : memref<32x65536xf32, #tpu.memory_space<hbm>> -> memref<1x16384xf32, #tpu.memory_space<hbm>>
    %dma_start3A_79 = tpu.memref_squeeze %dma_start3A_78 : memref<1x16384xf32, #tpu.memory_space<hbm>> -> memref<16384xf32, #tpu.memory_space<hbm>>
    tpu.enqueue_dma source(%dma_start3A_79 : memref<16384xf32, #tpu.memory_space<hbm>>) target(%arg6 : memref<16384xf32, #tpu.memory_space<vmem>>) target_semaphore(%arg12 : memref<!tpu.dma_semaphore, #tpu.memory_space<semaphore_mem>>)
    %dma_wait3A = arith.constant 0 : i32
    %dma_wait3A_80 = tpu.memref_slice %arg2[%add3A, %dma_wait3A] : memref<32x65536xf32, #tpu.memory_space<hbm>> -> memref<1x16384xf32, #tpu.memory_space<hbm>>
    %dma_wait3A_81 = tpu.memref_squeeze %dma_wait3A_80 : memref<1x16384xf32, #tpu.memory_space<hbm>> -> memref<16384xf32, #tpu.memory_space<hbm>>
    %dma_wait3A_82 = arith.constant 0 : i32
    %dma_wait3A_83 = tpu.memref_slice %arg2[%add3A, %dma_wait3A_82] : memref<32x65536xf32, #tpu.memory_space<hbm>> -> memref<1x16384xf32, #tpu.memory_space<hbm>>
    %dma_wait3A_84 = tpu.memref_squeeze %dma_wait3A_83 : memref<1x16384xf32, #tpu.memory_space<hbm>> -> memref<16384xf32, #tpu.memory_space<hbm>>
    tpu.wait_dma2 semaphore(%arg11 : memref<!tpu.dma_semaphore, #tpu.memory_space<semaphore_mem>>) src(%dma_wait3A_84 : memref<16384xf32, #tpu.memory_space<hbm>>) dst(%arg5 : memref<16384xf32, #tpu.memory_space<vmem>>)
    %parallel_loop3A = arith.constant 0 : i32
    %parallel_loop3A_85 = arith.constant 1024 : i32
    %parallel_loop3A_86 = arith.constant 1 : i32
    scf.for %parallel_loop3A_646 = %parallel_loop3A to %parallel_loop3A_85 step %parallel_loop3A_86  : i32 {
      %parallel_loop3A_647 = arith.constant 16 : i32
      %parallel_loop3A_648 = arith.muli %parallel_loop3A_646, %parallel_loop3A_647 : i32
      %parallel_loop3A_649 = arith.index_cast %parallel_loop3A_648 : i32 to index
      %parallel_loop3A_650 = tpu.vector_load %arg5[%parallel_loop3A_649] {strides = array<i32>} : memref<16384xf32, #tpu.memory_space<vmem>>, vector<16xf32>,
      %parallel_loop3A_651 = arith.constant 1.600000e+01 : f32
      %parallel_loop3A_652 = vector.broadcast %parallel_loop3A_651 : f32 to vector<16xf32>
      %parallel_loop3A_653 = arith.mulf %parallel_loop3A_650, %parallel_loop3A_652 : vector<16xf32>
      %parallel_loop3A_654 = arith.constant 1.600000e+01 : f32
      %parallel_loop3A_655 = vector.broadcast %parallel_loop3A_654 : f32 to vector<16xf32>
      %parallel_loop3A_656 = arith.addf %parallel_loop3A_653, %parallel_loop3A_655 : vector<16xf32>
      %parallel_loop3A_657 = arith.minimumf %parallel_loop3A_656, %broadcast_in_dim3A_73 : vector<16xf32>
      %parallel_loop3A_658 = arith.fptosi %parallel_loop3A_657 : vector<16xf32> to vector<16xi32>
      %parallel_loop3A_659 = arith.constant 4 : i32
      %parallel_loop3A_660 = vector.broadcast %parallel_loop3A_659 : i32 to vector<16xi32>
      %parallel_loop3A_661 = arith.shli %parallel_loop3A_658, %parallel_loop3A_660 : vector<16xi32>
      %parallel_loop3A_662 = arith.addi %parallel_loop3A_661, %iota3A : vector<16xi32>
      tpu.vector_store_idx %arg7[%parallel_loop3A_662], %broadcast_in_dim3A_71 {add = true} : memref<512xf32, #tpu.memory_space<vmem>>[vector<16xi32>], vector<16xf32>,
    } {sc.loop_unroll_factor = 8 : i64, sc.parallel_access}
    %dma_start3A_87 = arith.constant 32768 : i32
    %dma_start3A_88 = tpu.memref_slice %arg2[%add3A, %dma_start3A_87] : memref<32x65536xf32, #tpu.memory_space<hbm>> -> memref<1x16384xf32, #tpu.memory_space<hbm>>
    %dma_start3A_89 = tpu.memref_squeeze %dma_start3A_88 : memref<1x16384xf32, #tpu.memory_space<hbm>> -> memref<16384xf32, #tpu.memory_space<hbm>>
    %dma_start3A_90 = arith.constant 32768 : i32
    %dma_start3A_91 = tpu.memref_slice %arg2[%add3A, %dma_start3A_90] : memref<32x65536xf32, #tpu.memory_space<hbm>> -> memref<1x16384xf32, #tpu.memory_space<hbm>>
    %dma_start3A_92 = tpu.memref_squeeze %dma_start3A_91 : memref<1x16384xf32, #tpu.memory_space<hbm>> -> memref<16384xf32, #tpu.memory_space<hbm>>
    tpu.enqueue_dma source(%dma_start3A_92 : memref<16384xf32, #tpu.memory_space<hbm>>) target(%arg5 : memref<16384xf32, #tpu.memory_space<vmem>>) target_semaphore(%arg11 : memref<!tpu.dma_semaphore, #tpu.memory_space<semaphore_mem>>)
    %dma_wait3A_93 = arith.constant 16384 : i32
    %dma_wait3A_94 = tpu.memref_slice %arg2[%add3A, %dma_wait3A_93] : memref<32x65536xf32, #tpu.memory_space<hbm>> -> memref<1x16384xf32, #tpu.memory_space<hbm>>
    %dma_wait3A_95 = tpu.memref_squeeze %dma_wait3A_94 : memref<1x16384xf32, #tpu.memory_space<hbm>> -> memref<16384xf32, #tpu.memory_space<hbm>>
    %dma_wait3A_96 = arith.constant 16384 : i32
    %dma_wait3A_97 = tpu.memref_slice %arg2[%add3A, %dma_wait3A_96] : memref<32x65536xf32, #tpu.memory_space<hbm>> -> memref<1x16384xf32, #tpu.memory_space<hbm>>
    %dma_wait3A_98 = tpu.memref_squeeze %dma_wait3A_97 : memref<1x16384xf32, #tpu.memory_space<hbm>> -> memref<16384xf32, #tpu.memory_space<hbm>>
    tpu.wait_dma2 semaphore(%arg12 : memref<!tpu.dma_semaphore, #tpu.memory_space<semaphore_mem>>) src(%dma_wait3A_98 : memref<16384xf32, #tpu.memory_space<hbm>>) dst(%arg6 : memref<16384xf32, #tpu.memory_space<vmem>>)
    %parallel_loop3A_99 = arith.constant 0 : i32
    %parallel_loop3A_100 = arith.constant 1024 : i32
    %parallel_loop3A_101 = arith.constant 1 : i32
    scf.for %parallel_loop3A_646 = %parallel_loop3A_99 to %parallel_loop3A_100 step %parallel_loop3A_101  : i32 {
      %parallel_loop3A_647 = arith.constant 16 : i32
      %parallel_loop3A_648 = arith.muli %parallel_loop3A_646, %parallel_loop3A_647 : i32
      %parallel_loop3A_649 = arith.index_cast %parallel_loop3A_648 : i32 to index
      %parallel_loop3A_650 = tpu.vector_load %arg6[%parallel_loop3A_649] {strides = array<i32>} : memref<16384xf32, #tpu.memory_space<vmem>>, vector<16xf32>,
      %parallel_loop3A_651 = arith.constant 1.600000e+01 : f32
      %parallel_loop3A_652 = vector.broadcast %parallel_loop3A_651 : f32 to vector<16xf32>
      %parallel_loop3A_653 = arith.mulf %parallel_loop3A_650, %parallel_loop3A_652 : vector<16xf32>
      %parallel_loop3A_654 = arith.constant 1.600000e+01 : f32
      %parallel_loop3A_655 = vector.broadcast %parallel_loop3A_654 : f32 to vector<16xf32>
      %parallel_loop3A_656 = arith.addf %parallel_loop3A_653, %parallel_loop3A_655 : vector<16xf32>
      %parallel_loop3A_657 = arith.minimumf %parallel_loop3A_656, %broadcast_in_dim3A_73 : vector<16xf32>
      %parallel_loop3A_658 = arith.fptosi %parallel_loop3A_657 : vector<16xf32> to vector<16xi32>
      %parallel_loop3A_659 = arith.constant 4 : i32
      %parallel_loop3A_660 = vector.broadcast %parallel_loop3A_659 : i32 to vector<16xi32>
      %parallel_loop3A_661 = arith.shli %parallel_loop3A_658, %parallel_loop3A_660 : vector<16xi32>
      %parallel_loop3A_662 = arith.addi %parallel_loop3A_661, %iota3A : vector<16xi32>
      tpu.vector_store_idx %arg7[%parallel_loop3A_662], %broadcast_in_dim3A_71 {add = true} : memref<512xf32, #tpu.memory_space<vmem>>[vector<16xi32>], vector<16xf32>,
    } {sc.loop_unroll_factor = 8 : i64, sc.parallel_access}
    %dma_start3A_102 = arith.constant 49152 : i32
    %dma_start3A_103 = tpu.memref_slice %arg2[%add3A, %dma_start3A_102] : memref<32x65536xf32, #tpu.memory_space<hbm>> -> memref<1x16384xf32, #tpu.memory_space<hbm>>
    %dma_start3A_104 = tpu.memref_squeeze %dma_start3A_103 : memref<1x16384xf32, #tpu.memory_space<hbm>> -> memref<16384xf32, #tpu.memory_space<hbm>>
    %dma_start3A_105 = arith.constant 49152 : i32
    %dma_start3A_106 = tpu.memref_slice %arg2[%add3A, %dma_start3A_105] : memref<32x65536xf32, #tpu.memory_space<hbm>> -> memref<1x16384xf32, #tpu.memory_space<hbm>>
    %dma_start3A_107 = tpu.memref_squeeze %dma_start3A_106 : memref<1x16384xf32, #tpu.memory_space<hbm>> -> memref<16384xf32, #tpu.memory_space<hbm>>
    tpu.enqueue_dma source(%dma_start3A_107 : memref<16384xf32, #tpu.memory_space<hbm>>) target(%arg6 : memref<16384xf32, #tpu.memory_space<vmem>>) target_semaphore(%arg12 : memref<!tpu.dma_semaphore, #tpu.memory_space<semaphore_mem>>)
    %dma_wait3A_108 = arith.constant 32768 : i32
    %dma_wait3A_109 = tpu.memref_slice %arg2[%add3A, %dma_wait3A_108] : memref<32x65536xf32, #tpu.memory_space<hbm>> -> memref<1x16384xf32, #tpu.memory_space<hbm>>
    %dma_wait3A_110 = tpu.memref_squeeze %dma_wait3A_109 : memref<1x16384xf32, #tpu.memory_space<hbm>> -> memref<16384xf32, #tpu.memory_space<hbm>>
    %dma_wait3A_111 = arith.constant 32768 : i32
    %dma_wait3A_112 = tpu.memref_slice %arg2[%add3A, %dma_wait3A_111] : memref<32x65536xf32, #tpu.memory_space<hbm>> -> memref<1x16384xf32, #tpu.memory_space<hbm>>
    %dma_wait3A_113 = tpu.memref_squeeze %dma_wait3A_112 : memref<1x16384xf32, #tpu.memory_space<hbm>> -> memref<16384xf32, #tpu.memory_space<hbm>>
    tpu.wait_dma2 semaphore(%arg11 : memref<!tpu.dma_semaphore, #tpu.memory_space<semaphore_mem>>) src(%dma_wait3A_113 : memref<16384xf32, #tpu.memory_space<hbm>>) dst(%arg5 : memref<16384xf32, #tpu.memory_space<vmem>>)
    %parallel_loop3A_114 = arith.constant 0 : i32
    %parallel_loop3A_115 = arith.constant 1024 : i32
    %parallel_loop3A_116 = arith.constant 1 : i32
    scf.for %parallel_loop3A_646 = %parallel_loop3A_114 to %parallel_loop3A_115 step %parallel_loop3A_116  : i32 {
      %parallel_loop3A_647 = arith.constant 16 : i32
      %parallel_loop3A_648 = arith.muli %parallel_loop3A_646, %parallel_loop3A_647 : i32
      %parallel_loop3A_649 = arith.index_cast %parallel_loop3A_648 : i32 to index
      %parallel_loop3A_650 = tpu.vector_load %arg5[%parallel_loop3A_649] {strides = array<i32>} : memref<16384xf32, #tpu.memory_space<vmem>>, vector<16xf32>,
      %parallel_loop3A_651 = arith.constant 1.600000e+01 : f32
      %parallel_loop3A_652 = vector.broadcast %parallel_loop3A_651 : f32 to vector<16xf32>
      %parallel_loop3A_653 = arith.mulf %parallel_loop3A_650, %parallel_loop3A_652 : vector<16xf32>
      %parallel_loop3A_654 = arith.constant 1.600000e+01 : f32
      %parallel_loop3A_655 = vector.broadcast %parallel_loop3A_654 : f32 to vector<16xf32>
      %parallel_loop3A_656 = arith.addf %parallel_loop3A_653, %parallel_loop3A_655 : vector<16xf32>
      %parallel_loop3A_657 = arith.minimumf %parallel_loop3A_656, %broadcast_in_dim3A_73 : vector<16xf32>
      %parallel_loop3A_658 = arith.fptosi %parallel_loop3A_657 : vector<16xf32> to vector<16xi32>
      %parallel_loop3A_659 = arith.constant 4 : i32
      %parallel_loop3A_660 = vector.broadcast %parallel_loop3A_659 : i32 to vector<16xi32>
      %parallel_loop3A_661 = arith.shli %parallel_loop3A_658, %parallel_loop3A_660 : vector<16xi32>
      %parallel_loop3A_662 = arith.addi %parallel_loop3A_661, %iota3A : vector<16xi32>
      tpu.vector_store_idx %arg7[%parallel_loop3A_662], %broadcast_in_dim3A_71 {add = true} : memref<512xf32, #tpu.memory_space<vmem>>[vector<16xi32>], vector<16xf32>,
    } {sc.loop_unroll_factor = 8 : i64, sc.parallel_access}
    %dma_wait3A_117 = arith.constant 49152 : i32
    %dma_wait3A_118 = tpu.memref_slice %arg2[%add3A, %dma_wait3A_117] : memref<32x65536xf32, #tpu.memory_space<hbm>> -> memref<1x16384xf32, #tpu.memory_space<hbm>>
    %dma_wait3A_119 = tpu.memref_squeeze %dma_wait3A_118 : memref<1x16384xf32, #tpu.memory_space<hbm>> -> memref<16384xf32, #tpu.memory_space<hbm>>
    %dma_wait3A_120 = arith.constant 49152 : i32
    %dma_wait3A_121 = tpu.memref_slice %arg2[%add3A, %dma_wait3A_120] : memref<32x65536xf32, #tpu.memory_space<hbm>> -> memref<1x16384xf32, #tpu.memory_space<hbm>>
    %dma_wait3A_122 = tpu.memref_squeeze %dma_wait3A_121 : memref<1x16384xf32, #tpu.memory_space<hbm>> -> memref<16384xf32, #tpu.memory_space<hbm>>
    tpu.wait_dma2 semaphore(%arg12 : memref<!tpu.dma_semaphore, #tpu.memory_space<semaphore_mem>>) src(%dma_wait3A_122 : memref<16384xf32, #tpu.memory_space<hbm>>) dst(%arg6 : memref<16384xf32, #tpu.memory_space<vmem>>)
    %parallel_loop3A_123 = arith.constant 0 : i32
    %parallel_loop3A_124 = arith.constant 1024 : i32
    %parallel_loop3A_125 = arith.constant 1 : i32
    scf.for %parallel_loop3A_646 = %parallel_loop3A_123 to %parallel_loop3A_124 step %parallel_loop3A_125  : i32 {
      %parallel_loop3A_647 = arith.constant 16 : i32
      %parallel_loop3A_648 = arith.muli %parallel_loop3A_646, %parallel_loop3A_647 : i32
      %parallel_loop3A_649 = arith.index_cast %parallel_loop3A_648 : i32 to index
      %parallel_loop3A_650 = tpu.vector_load %arg6[%parallel_loop3A_649] {strides = array<i32>} : memref<16384xf32, #tpu.memory_space<vmem>>, vector<16xf32>,
      %parallel_loop3A_651 = arith.constant 1.600000e+01 : f32
      %parallel_loop3A_652 = vector.broadcast %parallel_loop3A_651 : f32 to vector<16xf32>
      %parallel_loop3A_653 = arith.mulf %parallel_loop3A_650, %parallel_loop3A_652 : vector<16xf32>
      %parallel_loop3A_654 = arith.constant 1.600000e+01 : f32
      %parallel_loop3A_655 = vector.broadcast %parallel_loop3A_654 : f32 to vector<16xf32>
      %parallel_loop3A_656 = arith.addf %parallel_loop3A_653, %parallel_loop3A_655 : vector<16xf32>
      %parallel_loop3A_657 = arith.minimumf %parallel_loop3A_656, %broadcast_in_dim3A_73 : vector<16xf32>
      %parallel_loop3A_658 = arith.fptosi %parallel_loop3A_657 : vector<16xf32> to vector<16xi32>
      %parallel_loop3A_659 = arith.constant 4 : i32
      %parallel_loop3A_660 = vector.broadcast %parallel_loop3A_659 : i32 to vector<16xi32>
      %parallel_loop3A_661 = arith.shli %parallel_loop3A_658, %parallel_loop3A_660 : vector<16xi32>
      %parallel_loop3A_662 = arith.addi %parallel_loop3A_661, %iota3A : vector<16xi32>
      tpu.vector_store_idx %arg7[%parallel_loop3A_662], %broadcast_in_dim3A_71 {add = true} : memref<512xf32, #tpu.memory_space<vmem>>[vector<16xi32>], vector<16xf32>,
    } {sc.loop_unroll_factor = 8 : i64, sc.parallel_access}
    %get3A = arith.constant 0 : index
    %get3A_126 = tpu.vector_load %arg7[%get3A] {strides = array<i32>} : memref<512xf32, #tpu.memory_space<vmem>>, vector<16xf32>,
    %broadcast_in_dim3A_127 = arith.constant true
    %broadcast_in_dim3A_128 = vector.broadcast %broadcast_in_dim3A_127 : i1 to vector<16xi1>
    %masked_cumsum3A = tpu.scan <sum>, %get3A_126 masked %broadcast_in_dim3A_128 : vector<16xf32>, vector<16xi1> -> vector<16xf32>
    %swap3A_129 = arith.constant 0 : index
    %swap3A_130 = tpu.vector_load %arg7[%swap3A_129] {strides = array<i32>} : memref<512xf32, #tpu.memory_space<vmem>>, vector<16xf32>,
    tpu.vector_store %arg7[%swap3A_129], %masked_cumsum3A {strides = array<i32>} : memref<512xf32, #tpu.memory_space<vmem>>, vector<16xf32>,
    %get3A_131 = arith.constant 16 : index
    %get3A_132 = tpu.vector_load %arg7[%get3A_131] {strides = array<i32>} : memref<512xf32, #tpu.memory_space<vmem>>, vector<16xf32>,
    %broadcast_in_dim3A_133 = arith.constant true
    %broadcast_in_dim3A_134 = vector.broadcast %broadcast_in_dim3A_133 : i1 to vector<16xi1>
    %masked_cumsum3A_135 = tpu.scan <sum>, %get3A_132 masked %broadcast_in_dim3A_134 : vector<16xf32>, vector<16xi1> -> vector<16xf32>
    %swap3A_136 = arith.constant 16 : index
    %swap3A_137 = tpu.vector_load %arg7[%swap3A_136] {strides = array<i32>} : memref<512xf32, #tpu.memory_space<vmem>>, vector<16xf32>,
    tpu.vector_store %arg7[%swap3A_136], %masked_cumsum3A_135 {strides = array<i32>} : memref<512xf32, #tpu.memory_space<vmem>>, vector<16xf32>,
    %get3A_138 = arith.constant 32 : index
    %get3A_139 = tpu.vector_load %arg7[%get3A_138] {strides = array<i32>} : memref<512xf32, #tpu.memory_space<vmem>>, vector<16xf32>,
    %broadcast_in_dim3A_140 = arith.constant true
    %broadcast_in_dim3A_141 = vector.broadcast %broadcast_in_dim3A_140 : i1 to vector<16xi1>
    %masked_cumsum3A_142 = tpu.scan <sum>, %get3A_139 masked %broadcast_in_dim3A_141 : vector<16xf32>, vector<16xi1> -> vector<16xf32>
    %swap3A_143 = arith.constant 32 : index
    %swap3A_144 = tpu.vector_load %arg7[%swap3A_143] {strides = array<i32>} : memref<512xf32, #tpu.memory_space<vmem>>, vector<16xf32>,
    tpu.vector_store %arg7[%swap3A_143], %masked_cumsum3A_142 {strides = array<i32>} : memref<512xf32, #tpu.memory_space<vmem>>, vector<16xf32>,
    %get3A_145 = arith.constant 48 : index
    %get3A_146 = tpu.vector_load %arg7[%get3A_145] {strides = array<i32>} : memref<512xf32, #tpu.memory_space<vmem>>, vector<16xf32>,
    %broadcast_in_dim3A_147 = arith.constant true
    %broadcast_in_dim3A_148 = vector.broadcast %broadcast_in_dim3A_147 : i1 to vector<16xi1>
    %masked_cumsum3A_149 = tpu.scan <sum>, %get3A_146 masked %broadcast_in_dim3A_148 : vector<16xf32>, vector<16xi1> -> vector<16xf32>
    %swap3A_150 = arith.constant 48 : index
    %swap3A_151 = tpu.vector_load %arg7[%swap3A_150] {strides = array<i32>} : memref<512xf32, #tpu.memory_space<vmem>>, vector<16xf32>,
    tpu.vector_store %arg7[%swap3A_150], %masked_cumsum3A_149 {strides = array<i32>} : memref<512xf32, #tpu.memory_space<vmem>>, vector<16xf32>,
    %get3A_152 = arith.constant 64 : index
    %get3A_153 = tpu.vector_load %arg7[%get3A_152] {strides = array<i32>} : memref<512xf32, #tpu.memory_space<vmem>>, vector<16xf32>,
    %broadcast_in_dim3A_154 = arith.constant true
    %broadcast_in_dim3A_155 = vector.broadcast %broadcast_in_dim3A_154 : i1 to vector<16xi1>
    %masked_cumsum3A_156 = tpu.scan <sum>, %get3A_153 masked %broadcast_in_dim3A_155 : vector<16xf32>, vector<16xi1> -> vector<16xf32>
    %swap3A_157 = arith.constant 64 : index
    %swap3A_158 = tpu.vector_load %arg7[%swap3A_157] {strides = array<i32>} : memref<512xf32, #tpu.memory_space<vmem>>, vector<16xf32>,
    tpu.vector_store %arg7[%swap3A_157], %masked_cumsum3A_156 {strides = array<i32>} : memref<512xf32, #tpu.memory_space<vmem>>, vector<16xf32>,
    %get3A_159 = arith.constant 80 : index
    %get3A_160 = tpu.vector_load %arg7[%get3A_159] {strides = array<i32>} : memref<512xf32, #tpu.memory_space<vmem>>, vector<16xf32>,
    %broadcast_in_dim3A_161 = arith.constant true
    %broadcast_in_dim3A_162 = vector.broadcast %broadcast_in_dim3A_161 : i1 to vector<16xi1>
    %masked_cumsum3A_163 = tpu.scan <sum>, %get3A_160 masked %broadcast_in_dim3A_162 : vector<16xf32>, vector<16xi1> -> vector<16xf32>
    %swap3A_164 = arith.constant 80 : index
    %swap3A_165 = tpu.vector_load %arg7[%swap3A_164] {strides = array<i32>} : memref<512xf32, #tpu.memory_space<vmem>>, vector<16xf32>,
    tpu.vector_store %arg7[%swap3A_164], %masked_cumsum3A_163 {strides = array<i32>} : memref<512xf32, #tpu.memory_space<vmem>>, vector<16xf32>,
    %get3A_166 = arith.constant 96 : index
    %get3A_167 = tpu.vector_load %arg7[%get3A_166] {strides = array<i32>} : memref<512xf32, #tpu.memory_space<vmem>>, vector<16xf32>,
    %broadcast_in_dim3A_168 = arith.constant true
    %broadcast_in_dim3A_169 = vector.broadcast %broadcast_in_dim3A_168 : i1 to vector<16xi1>
    %masked_cumsum3A_170 = tpu.scan <sum>, %get3A_167 masked %broadcast_in_dim3A_169 : vector<16xf32>, vector<16xi1> -> vector<16xf32>
    %swap3A_171 = arith.constant 96 : index
    %swap3A_172 = tpu.vector_load %arg7[%swap3A_171] {strides = array<i32>} : memref<512xf32, #tpu.memory_space<vmem>>, vector<16xf32>,
    tpu.vector_store %arg7[%swap3A_171], %masked_cumsum3A_170 {strides = array<i32>} : memref<512xf32, #tpu.memory_space<vmem>>, vector<16xf32>,
    %get3A_173 = arith.constant 112 : index
    %get3A_174 = tpu.vector_load %arg7[%get3A_173] {strides = array<i32>} : memref<512xf32, #tpu.memory_space<vmem>>, vector<16xf32>,
    %broadcast_in_dim3A_175 = arith.constant true
    %broadcast_in_dim3A_176 = vector.broadcast %broadcast_in_dim3A_175 : i1 to vector<16xi1>
    %masked_cumsum3A_177 = tpu.scan <sum>, %get3A_174 masked %broadcast_in_dim3A_176 : vector<16xf32>, vector<16xi1> -> vector<16xf32>
    %swap3A_178 = arith.constant 112 : index
    %swap3A_179 = tpu.vector_load %arg7[%swap3A_178] {strides = array<i32>} : memref<512xf32, #tpu.memory_space<vmem>>, vector<16xf32>,
    tpu.vector_store %arg7[%swap3A_178], %masked_cumsum3A_177 {strides = array<i32>} : memref<512xf32, #tpu.memory_space<vmem>>, vector<16xf32>,
    %get3A_180 = arith.constant 128 : index
    %get3A_181 = tpu.vector_load %arg7[%get3A_180] {strides = array<i32>} : memref<512xf32, #tpu.memory_space<vmem>>, vector<16xf32>,
    %broadcast_in_dim3A_182 = arith.constant true
    %broadcast_in_dim3A_183 = vector.broadcast %broadcast_in_dim3A_182 : i1 to vector<16xi1>
    %masked_cumsum3A_184 = tpu.scan <sum>, %get3A_181 masked %broadcast_in_dim3A_183 : vector<16xf32>, vector<16xi1> -> vector<16xf32>
    %swap3A_185 = arith.constant 128 : index
    %swap3A_186 = tpu.vector_load %arg7[%swap3A_185] {strides = array<i32>} : memref<512xf32, #tpu.memory_space<vmem>>, vector<16xf32>,
    tpu.vector_store %arg7[%swap3A_185], %masked_cumsum3A_184 {strides = array<i32>} : memref<512xf32, #tpu.memory_space<vmem>>, vector<16xf32>,
    %get3A_187 = arith.constant 144 : index
    %get3A_188 = tpu.vector_load %arg7[%get3A_187] {strides = array<i32>} : memref<512xf32, #tpu.memory_space<vmem>>, vector<16xf32>,
    %broadcast_in_dim3A_189 = arith.constant true
    %broadcast_in_dim3A_190 = vector.broadcast %broadcast_in_dim3A_189 : i1 to vector<16xi1>
    %masked_cumsum3A_191 = tpu.scan <sum>, %get3A_188 masked %broadcast_in_dim3A_190 : vector<16xf32>, vector<16xi1> -> vector<16xf32>
    %swap3A_192 = arith.constant 144 : index
    %swap3A_193 = tpu.vector_load %arg7[%swap3A_192] {strides = array<i32>} : memref<512xf32, #tpu.memory_space<vmem>>, vector<16xf32>,
    tpu.vector_store %arg7[%swap3A_192], %masked_cumsum3A_191 {strides = array<i32>} : memref<512xf32, #tpu.memory_space<vmem>>, vector<16xf32>,
    %get3A_194 = arith.constant 160 : index
    %get3A_195 = tpu.vector_load %arg7[%get3A_194] {strides = array<i32>} : memref<512xf32, #tpu.memory_space<vmem>>, vector<16xf32>,
    %broadcast_in_dim3A_196 = arith.constant true
    %broadcast_in_dim3A_197 = vector.broadcast %broadcast_in_dim3A_196 : i1 to vector<16xi1>
    %masked_cumsum3A_198 = tpu.scan <sum>, %get3A_195 masked %broadcast_in_dim3A_197 : vector<16xf32>, vector<16xi1> -> vector<16xf32>
    %swap3A_199 = arith.constant 160 : index
    %swap3A_200 = tpu.vector_load %arg7[%swap3A_199] {strides = array<i32>} : memref<512xf32, #tpu.memory_space<vmem>>, vector<16xf32>,
    tpu.vector_store %arg7[%swap3A_199], %masked_cumsum3A_198 {strides = array<i32>} : memref<512xf32, #tpu.memory_space<vmem>>, vector<16xf32>,
    %get3A_201 = arith.constant 176 : index
    %get3A_202 = tpu.vector_load %arg7[%get3A_201] {strides = array<i32>} : memref<512xf32, #tpu.memory_space<vmem>>, vector<16xf32>,
    %broadcast_in_dim3A_203 = arith.constant true
    %broadcast_in_dim3A_204 = vector.broadcast %broadcast_in_dim3A_203 : i1 to vector<16xi1>
    %masked_cumsum3A_205 = tpu.scan <sum>, %get3A_202 masked %broadcast_in_dim3A_204 : vector<16xf32>, vector<16xi1> -> vector<16xf32>
    %swap3A_206 = arith.constant 176 : index
    %swap3A_207 = tpu.vector_load %arg7[%swap3A_206] {strides = array<i32>} : memref<512xf32, #tpu.memory_space<vmem>>, vector<16xf32>,
    tpu.vector_store %arg7[%swap3A_206], %masked_cumsum3A_205 {strides = array<i32>} : memref<512xf32, #tpu.memory_space<vmem>>, vector<16xf32>,
    %get3A_208 = arith.constant 192 : index
    %get3A_209 = tpu.vector_load %arg7[%get3A_208] {strides = array<i32>} : memref<512xf32, #tpu.memory_space<vmem>>, vector<16xf32>,
    %broadcast_in_dim3A_210 = arith.constant true
    %broadcast_in_dim3A_211 = vector.broadcast %broadcast_in_dim3A_210 : i1 to vector<16xi1>
    %masked_cumsum3A_212 = tpu.scan <sum>, %get3A_209 masked %broadcast_in_dim3A_211 : vector<16xf32>, vector<16xi1> -> vector<16xf32>
    %swap3A_213 = arith.constant 192 : index
    %swap3A_214 = tpu.vector_load %arg7[%swap3A_213] {strides = array<i32>} : memref<512xf32, #tpu.memory_space<vmem>>, vector<16xf32>,
    tpu.vector_store %arg7[%swap3A_213], %masked_cumsum3A_212 {strides = array<i32>} : memref<512xf32, #tpu.memory_space<vmem>>, vector<16xf32>,
    %get3A_215 = arith.constant 208 : index
    %get3A_216 = tpu.vector_load %arg7[%get3A_215] {strides = array<i32>} : memref<512xf32, #tpu.memory_space<vmem>>, vector<16xf32>,
    %broadcast_in_dim3A_217 = arith.constant true
    %broadcast_in_dim3A_218 = vector.broadcast %broadcast_in_dim3A_217 : i1 to vector<16xi1>
    %masked_cumsum3A_219 = tpu.scan <sum>, %get3A_216 masked %broadcast_in_dim3A_218 : vector<16xf32>, vector<16xi1> -> vector<16xf32>
    %swap3A_220 = arith.constant 208 : index
    %swap3A_221 = tpu.vector_load %arg7[%swap3A_220] {strides = array<i32>} : memref<512xf32, #tpu.memory_space<vmem>>, vector<16xf32>,
    tpu.vector_store %arg7[%swap3A_220], %masked_cumsum3A_219 {strides = array<i32>} : memref<512xf32, #tpu.memory_space<vmem>>, vector<16xf32>,
    %get3A_222 = arith.constant 224 : index
    %get3A_223 = tpu.vector_load %arg7[%get3A_222] {strides = array<i32>} : memref<512xf32, #tpu.memory_space<vmem>>, vector<16xf32>,
    %broadcast_in_dim3A_224 = arith.constant true
    %broadcast_in_dim3A_225 = vector.broadcast %broadcast_in_dim3A_224 : i1 to vector<16xi1>
    %masked_cumsum3A_226 = tpu.scan <sum>, %get3A_223 masked %broadcast_in_dim3A_225 : vector<16xf32>, vector<16xi1> -> vector<16xf32>
    %swap3A_227 = arith.constant 224 : index
    %swap3A_228 = tpu.vector_load %arg7[%swap3A_227] {strides = array<i32>} : memref<512xf32, #tpu.memory_space<vmem>>, vector<16xf32>,
    tpu.vector_store %arg7[%swap3A_227], %masked_cumsum3A_226 {strides = array<i32>} : memref<512xf32, #tpu.memory_space<vmem>>, vector<16xf32>,
    %get3A_229 = arith.constant 240 : index
    %get3A_230 = tpu.vector_load %arg7[%get3A_229] {strides = array<i32>} : memref<512xf32, #tpu.memory_space<vmem>>, vector<16xf32>,
    %broadcast_in_dim3A_231 = arith.constant true
    %broadcast_in_dim3A_232 = vector.broadcast %broadcast_in_dim3A_231 : i1 to vector<16xi1>
    %masked_cumsum3A_233 = tpu.scan <sum>, %get3A_230 masked %broadcast_in_dim3A_232 : vector<16xf32>, vector<16xi1> -> vector<16xf32>
    %swap3A_234 = arith.constant 240 : index
    %swap3A_235 = tpu.vector_load %arg7[%swap3A_234] {strides = array<i32>} : memref<512xf32, #tpu.memory_space<vmem>>, vector<16xf32>,
    tpu.vector_store %arg7[%swap3A_234], %masked_cumsum3A_233 {strides = array<i32>} : memref<512xf32, #tpu.memory_space<vmem>>, vector<16xf32>,
    %get3A_236 = arith.constant 256 : index
    %get3A_237 = tpu.vector_load %arg7[%get3A_236] {strides = array<i32>} : memref<512xf32, #tpu.memory_space<vmem>>, vector<16xf32>,
    %broadcast_in_dim3A_238 = arith.constant true
    %broadcast_in_dim3A_239 = vector.broadcast %broadcast_in_dim3A_238 : i1 to vector<16xi1>
    %masked_cumsum3A_240 = tpu.scan <sum>, %get3A_237 masked %broadcast_in_dim3A_239 : vector<16xf32>, vector<16xi1> -> vector<16xf32>
    %swap3A_241 = arith.constant 256 : index
    %swap3A_242 = tpu.vector_load %arg7[%swap3A_241] {strides = array<i32>} : memref<512xf32, #tpu.memory_space<vmem>>, vector<16xf32>,
    tpu.vector_store %arg7[%swap3A_241], %masked_cumsum3A_240 {strides = array<i32>} : memref<512xf32, #tpu.memory_space<vmem>>, vector<16xf32>,
    %get3A_243 = arith.constant 272 : index
    %get3A_244 = tpu.vector_load %arg7[%get3A_243] {strides = array<i32>} : memref<512xf32, #tpu.memory_space<vmem>>, vector<16xf32>,
    %broadcast_in_dim3A_245 = arith.constant true
    %broadcast_in_dim3A_246 = vector.broadcast %broadcast_in_dim3A_245 : i1 to vector<16xi1>
    %masked_cumsum3A_247 = tpu.scan <sum>, %get3A_244 masked %broadcast_in_dim3A_246 : vector<16xf32>, vector<16xi1> -> vector<16xf32>
    %swap3A_248 = arith.constant 272 : index
    %swap3A_249 = tpu.vector_load %arg7[%swap3A_248] {strides = array<i32>} : memref<512xf32, #tpu.memory_space<vmem>>, vector<16xf32>,
    tpu.vector_store %arg7[%swap3A_248], %masked_cumsum3A_247 {strides = array<i32>} : memref<512xf32, #tpu.memory_space<vmem>>, vector<16xf32>,
    %get3A_250 = arith.constant 288 : index
    %get3A_251 = tpu.vector_load %arg7[%get3A_250] {strides = array<i32>} : memref<512xf32, #tpu.memory_space<vmem>>, vector<16xf32>,
    %broadcast_in_dim3A_252 = arith.constant true
    %broadcast_in_dim3A_253 = vector.broadcast %broadcast_in_dim3A_252 : i1 to vector<16xi1>
    %masked_cumsum3A_254 = tpu.scan <sum>, %get3A_251 masked %broadcast_in_dim3A_253 : vector<16xf32>, vector<16xi1> -> vector<16xf32>
    %swap3A_255 = arith.constant 288 : index
    %swap3A_256 = tpu.vector_load %arg7[%swap3A_255] {strides = array<i32>} : memref<512xf32, #tpu.memory_space<vmem>>, vector<16xf32>,
    tpu.vector_store %arg7[%swap3A_255], %masked_cumsum3A_254 {strides = array<i32>} : memref<512xf32, #tpu.memory_space<vmem>>, vector<16xf32>,
    %get3A_257 = arith.constant 304 : index
    %get3A_258 = tpu.vector_load %arg7[%get3A_257] {strides = array<i32>} : memref<512xf32, #tpu.memory_space<vmem>>, vector<16xf32>,
    %broadcast_in_dim3A_259 = arith.constant true
    %broadcast_in_dim3A_260 = vector.broadcast %broadcast_in_dim3A_259 : i1 to vector<16xi1>
    %masked_cumsum3A_261 = tpu.scan <sum>, %get3A_258 masked %broadcast_in_dim3A_260 : vector<16xf32>, vector<16xi1> -> vector<16xf32>
    %swap3A_262 = arith.constant 304 : index
    %swap3A_263 = tpu.vector_load %arg7[%swap3A_262] {strides = array<i32>} : memref<512xf32, #tpu.memory_space<vmem>>, vector<16xf32>,
    tpu.vector_store %arg7[%swap3A_262], %masked_cumsum3A_261 {strides = array<i32>} : memref<512xf32, #tpu.memory_space<vmem>>, vector<16xf32>,
    %get3A_264 = arith.constant 320 : index
    %get3A_265 = tpu.vector_load %arg7[%get3A_264] {strides = array<i32>} : memref<512xf32, #tpu.memory_space<vmem>>, vector<16xf32>,
    %broadcast_in_dim3A_266 = arith.constant true
    %broadcast_in_dim3A_267 = vector.broadcast %broadcast_in_dim3A_266 : i1 to vector<16xi1>
    %masked_cumsum3A_268 = tpu.scan <sum>, %get3A_265 masked %broadcast_in_dim3A_267 : vector<16xf32>, vector<16xi1> -> vector<16xf32>
    %swap3A_269 = arith.constant 320 : index
    %swap3A_270 = tpu.vector_load %arg7[%swap3A_269] {strides = array<i32>} : memref<512xf32, #tpu.memory_space<vmem>>, vector<16xf32>,
    tpu.vector_store %arg7[%swap3A_269], %masked_cumsum3A_268 {strides = array<i32>} : memref<512xf32, #tpu.memory_space<vmem>>, vector<16xf32>,
    %get3A_271 = arith.constant 336 : index
    %get3A_272 = tpu.vector_load %arg7[%get3A_271] {strides = array<i32>} : memref<512xf32, #tpu.memory_space<vmem>>, vector<16xf32>,
    %broadcast_in_dim3A_273 = arith.constant true
    %broadcast_in_dim3A_274 = vector.broadcast %broadcast_in_dim3A_273 : i1 to vector<16xi1>
    %masked_cumsum3A_275 = tpu.scan <sum>, %get3A_272 masked %broadcast_in_dim3A_274 : vector<16xf32>, vector<16xi1> -> vector<16xf32>
    %swap3A_276 = arith.constant 336 : index
    %swap3A_277 = tpu.vector_load %arg7[%swap3A_276] {strides = array<i32>} : memref<512xf32, #tpu.memory_space<vmem>>, vector<16xf32>,
    tpu.vector_store %arg7[%swap3A_276], %masked_cumsum3A_275 {strides = array<i32>} : memref<512xf32, #tpu.memory_space<vmem>>, vector<16xf32>,
    %get3A_278 = arith.constant 352 : index
    %get3A_279 = tpu.vector_load %arg7[%get3A_278] {strides = array<i32>} : memref<512xf32, #tpu.memory_space<vmem>>, vector<16xf32>,
    %broadcast_in_dim3A_280 = arith.constant true
    %broadcast_in_dim3A_281 = vector.broadcast %broadcast_in_dim3A_280 : i1 to vector<16xi1>
    %masked_cumsum3A_282 = tpu.scan <sum>, %get3A_279 masked %broadcast_in_dim3A_281 : vector<16xf32>, vector<16xi1> -> vector<16xf32>
    %swap3A_283 = arith.constant 352 : index
    %swap3A_284 = tpu.vector_load %arg7[%swap3A_283] {strides = array<i32>} : memref<512xf32, #tpu.memory_space<vmem>>, vector<16xf32>,
    tpu.vector_store %arg7[%swap3A_283], %masked_cumsum3A_282 {strides = array<i32>} : memref<512xf32, #tpu.memory_space<vmem>>, vector<16xf32>,
    %get3A_285 = arith.constant 368 : index
    %get3A_286 = tpu.vector_load %arg7[%get3A_285] {strides = array<i32>} : memref<512xf32, #tpu.memory_space<vmem>>, vector<16xf32>,
    %broadcast_in_dim3A_287 = arith.constant true
    %broadcast_in_dim3A_288 = vector.broadcast %broadcast_in_dim3A_287 : i1 to vector<16xi1>
    %masked_cumsum3A_289 = tpu.scan <sum>, %get3A_286 masked %broadcast_in_dim3A_288 : vector<16xf32>, vector<16xi1> -> vector<16xf32>
    %swap3A_290 = arith.constant 368 : index
    %swap3A_291 = tpu.vector_load %arg7[%swap3A_290] {strides = array<i32>} : memref<512xf32, #tpu.memory_space<vmem>>, vector<16xf32>,
    tpu.vector_store %arg7[%swap3A_290], %masked_cumsum3A_289 {strides = array<i32>} : memref<512xf32, #tpu.memory_space<vmem>>, vector<16xf32>,
    %get3A_292 = arith.constant 384 : index
    %get3A_293 = tpu.vector_load %arg7[%get3A_292] {strides = array<i32>} : memref<512xf32, #tpu.memory_space<vmem>>, vector<16xf32>,
    %broadcast_in_dim3A_294 = arith.constant true
    %broadcast_in_dim3A_295 = vector.broadcast %broadcast_in_dim3A_294 : i1 to vector<16xi1>
    %masked_cumsum3A_296 = tpu.scan <sum>, %get3A_293 masked %broadcast_in_dim3A_295 : vector<16xf32>, vector<16xi1> -> vector<16xf32>
    %swap3A_297 = arith.constant 384 : index
    %swap3A_298 = tpu.vector_load %arg7[%swap3A_297] {strides = array<i32>} : memref<512xf32, #tpu.memory_space<vmem>>, vector<16xf32>,
    tpu.vector_store %arg7[%swap3A_297], %masked_cumsum3A_296 {strides = array<i32>} : memref<512xf32, #tpu.memory_space<vmem>>, vector<16xf32>,
    %get3A_299 = arith.constant 400 : index
    %get3A_300 = tpu.vector_load %arg7[%get3A_299] {strides = array<i32>} : memref<512xf32, #tpu.memory_space<vmem>>, vector<16xf32>,
    %broadcast_in_dim3A_301 = arith.constant true
    %broadcast_in_dim3A_302 = vector.broadcast %broadcast_in_dim3A_301 : i1 to vector<16xi1>
    %masked_cumsum3A_303 = tpu.scan <sum>, %get3A_300 masked %broadcast_in_dim3A_302 : vector<16xf32>, vector<16xi1> -> vector<16xf32>
    %swap3A_304 = arith.constant 400 : index
    %swap3A_305 = tpu.vector_load %arg7[%swap3A_304] {strides = array<i32>} : memref<512xf32, #tpu.memory_space<vmem>>, vector<16xf32>,
    tpu.vector_store %arg7[%swap3A_304], %masked_cumsum3A_303 {strides = array<i32>} : memref<512xf32, #tpu.memory_space<vmem>>, vector<16xf32>,
    %get3A_306 = arith.constant 416 : index
    %get3A_307 = tpu.vector_load %arg7[%get3A_306] {strides = array<i32>} : memref<512xf32, #tpu.memory_space<vmem>>, vector<16xf32>,
    %broadcast_in_dim3A_308 = arith.constant true
    %broadcast_in_dim3A_309 = vector.broadcast %broadcast_in_dim3A_308 : i1 to vector<16xi1>
    %masked_cumsum3A_310 = tpu.scan <sum>, %get3A_307 masked %broadcast_in_dim3A_309 : vector<16xf32>, vector<16xi1> -> vector<16xf32>
    %swap3A_311 = arith.constant 416 : index
    %swap3A_312 = tpu.vector_load %arg7[%swap3A_311] {strides = array<i32>} : memref<512xf32, #tpu.memory_space<vmem>>, vector<16xf32>,
    tpu.vector_store %arg7[%swap3A_311], %masked_cumsum3A_310 {strides = array<i32>} : memref<512xf32, #tpu.memory_space<vmem>>, vector<16xf32>,
    %get3A_313 = arith.constant 432 : index
    %get3A_314 = tpu.vector_load %arg7[%get3A_313] {strides = array<i32>} : memref<512xf32, #tpu.memory_space<vmem>>, vector<16xf32>,
    %broadcast_in_dim3A_315 = arith.constant true
    %broadcast_in_dim3A_316 = vector.broadcast %broadcast_in_dim3A_315 : i1 to vector<16xi1>
    %masked_cumsum3A_317 = tpu.scan <sum>, %get3A_314 masked %broadcast_in_dim3A_316 : vector<16xf32>, vector<16xi1> -> vector<16xf32>
    %swap3A_318 = arith.constant 432 : index
    %swap3A_319 = tpu.vector_load %arg7[%swap3A_318] {strides = array<i32>} : memref<512xf32, #tpu.memory_space<vmem>>, vector<16xf32>,
    tpu.vector_store %arg7[%swap3A_318], %masked_cumsum3A_317 {strides = array<i32>} : memref<512xf32, #tpu.memory_space<vmem>>, vector<16xf32>,
    %get3A_320 = arith.constant 448 : index
    %get3A_321 = tpu.vector_load %arg7[%get3A_320] {strides = array<i32>} : memref<512xf32, #tpu.memory_space<vmem>>, vector<16xf32>,
    %broadcast_in_dim3A_322 = arith.constant true
    %broadcast_in_dim3A_323 = vector.broadcast %broadcast_in_dim3A_322 : i1 to vector<16xi1>
    %masked_cumsum3A_324 = tpu.scan <sum>, %get3A_321 masked %broadcast_in_dim3A_323 : vector<16xf32>, vector<16xi1> -> vector<16xf32>
    %swap3A_325 = arith.constant 448 : index
    %swap3A_326 = tpu.vector_load %arg7[%swap3A_325] {strides = array<i32>} : memref<512xf32, #tpu.memory_space<vmem>>, vector<16xf32>,
    tpu.vector_store %arg7[%swap3A_325], %masked_cumsum3A_324 {strides = array<i32>} : memref<512xf32, #tpu.memory_space<vmem>>, vector<16xf32>,
    %get3A_327 = arith.constant 464 : index
    %get3A_328 = tpu.vector_load %arg7[%get3A_327] {strides = array<i32>} : memref<512xf32, #tpu.memory_space<vmem>>, vector<16xf32>,
    %broadcast_in_dim3A_329 = arith.constant true
    %broadcast_in_dim3A_330 = vector.broadcast %broadcast_in_dim3A_329 : i1 to vector<16xi1>
    %masked_cumsum3A_331 = tpu.scan <sum>, %get3A_328 masked %broadcast_in_dim3A_330 : vector<16xf32>, vector<16xi1> -> vector<16xf32>
    %swap3A_332 = arith.constant 464 : index
    %swap3A_333 = tpu.vector_load %arg7[%swap3A_332] {strides = array<i32>} : memref<512xf32, #tpu.memory_space<vmem>>, vector<16xf32>,
    tpu.vector_store %arg7[%swap3A_332], %masked_cumsum3A_331 {strides = array<i32>} : memref<512xf32, #tpu.memory_space<vmem>>, vector<16xf32>,
    %get3A_334 = arith.constant 480 : index
    %get3A_335 = tpu.vector_load %arg7[%get3A_334] {strides = array<i32>} : memref<512xf32, #tpu.memory_space<vmem>>, vector<16xf32>,
    %broadcast_in_dim3A_336 = arith.constant true
    %broadcast_in_dim3A_337 = vector.broadcast %broadcast_in_dim3A_336 : i1 to vector<16xi1>
    %masked_cumsum3A_338 = tpu.scan <sum>, %get3A_335 masked %broadcast_in_dim3A_337 : vector<16xf32>, vector<16xi1> -> vector<16xf32>
    %swap3A_339 = arith.constant 480 : index
    %swap3A_340 = tpu.vector_load %arg7[%swap3A_339] {strides = array<i32>} : memref<512xf32, #tpu.memory_space<vmem>>, vector<16xf32>,
    tpu.vector_store %arg7[%swap3A_339], %masked_cumsum3A_338 {strides = array<i32>} : memref<512xf32, #tpu.memory_space<vmem>>, vector<16xf32>,
    %get3A_341 = arith.constant 496 : index
    %get3A_342 = tpu.vector_load %arg7[%get3A_341] {strides = array<i32>} : memref<512xf32, #tpu.memory_space<vmem>>, vector<16xf32>,
    %broadcast_in_dim3A_343 = arith.constant true
    %broadcast_in_dim3A_344 = vector.broadcast %broadcast_in_dim3A_343 : i1 to vector<16xi1>
    %masked_cumsum3A_345 = tpu.scan <sum>, %get3A_342 masked %broadcast_in_dim3A_344 : vector<16xf32>, vector<16xi1> -> vector<16xf32>
    %swap3A_346 = arith.constant 496 : index
    %swap3A_347 = tpu.vector_load %arg7[%swap3A_346] {strides = array<i32>} : memref<512xf32, #tpu.memory_space<vmem>>, vector<16xf32>,
    tpu.vector_store %arg7[%swap3A_346], %masked_cumsum3A_345 {strides = array<i32>} : memref<512xf32, #tpu.memory_space<vmem>>, vector<16xf32>,
    %mul3A_348 = arith.constant 16 : i32
    %mul3A_349 = vector.broadcast %mul3A_348 : i32 to vector<16xi32>
    %mul3A_350 = arith.muli %iota3A, %mul3A_349 : vector<16xi32>
    %add3A_351 = arith.constant 15 : i32
    %add3A_352 = vector.broadcast %add3A_351 : i32 to vector<16xi32>
    %add3A_353 = arith.addi %mul3A_350, %add3A_352 : vector<16xi32>
    %gather3A = tpu.vector_load_idx %arg7[%add3A_353] : memref<512xf32, #tpu.memory_space<vmem>>[vector<16xi32>], vector<16xf32>,
    %add3A_354 = arith.constant 256 : i32
    %add3A_355 = vector.broadcast %add3A_354 : i32 to vector<16xi32>
    %add3A_356 = arith.addi %add3A_353, %add3A_355 : vector<16xi32>
    %gather3A_357 = tpu.vector_load_idx %arg7[%add3A_356] : memref<512xf32, #tpu.memory_space<vmem>>[vector<16xi32>], vector<16xf32>,
    %add3A_358 = arith.constant 1.000000e+00 : f32
    %add3A_359 = vector.broadcast %add3A_358 : f32 to vector<16xf32>
    %add3A_360 = arith.addf %gather3A, %add3A_359 : vector<16xf32>
    %bitcast_convert_type3A = tpu.bitcast %add3A_360 : vector<16xf32> -> vector<16xi32>
    %shift_right_logical3A = arith.constant 23 : i32
    %shift_right_logical3A_361 = vector.broadcast %shift_right_logical3A : i32 to vector<16xi32>
    %shift_right_logical3A_362 = arith.shrui %bitcast_convert_type3A, %shift_right_logical3A_361 : vector<16xi32>
    %sub3A = arith.constant 127 : i32
    %sub3A_363 = vector.broadcast %sub3A : i32 to vector<16xi32>
    %sub3A_364 = arith.subi %shift_right_logical3A_362, %sub3A_363 : vector<16xi32>
    %and3A = arith.constant 8388607 : i32
    %and3A_365 = vector.broadcast %and3A : i32 to vector<16xi32>
    %and3A_366 = arith.andi %bitcast_convert_type3A, %and3A_365 : vector<16xi32>
    %or3A = arith.constant 1065353216 : i32
    %or3A_367 = vector.broadcast %or3A : i32 to vector<16xi32>
    %or3A_368 = arith.ori %and3A_366, %or3A_367 : vector<16xi32>
    %bitcast_convert_type3A_369 = tpu.bitcast %or3A_368 : vector<16xi32> -> vector<16xf32>
    %broadcast_in_dim3A_370 = arith.constant 0.0145987505 : f32
    %broadcast_in_dim3A_371 = vector.broadcast %broadcast_in_dim3A_370 : f32 to vector<16xf32>
    %mul3A_372 = arith.mulf %broadcast_in_dim3A_371, %bitcast_convert_type3A_369 : vector<16xf32>
    %add3A_373 = arith.constant -0.178112864 : f32
    %add3A_374 = vector.broadcast %add3A_373 : f32 to vector<16xf32>
    %add3A_375 = arith.addf %mul3A_372, %add3A_374 : vector<16xf32>
    %mul3A_376 = arith.mulf %add3A_375, %bitcast_convert_type3A_369 : vector<16xf32>
    %add3A_377 = arith.constant 0.950757503 : f32
    %add3A_378 = vector.broadcast %add3A_377 : f32 to vector<16xf32>
    %add3A_379 = arith.addf %mul3A_376, %add3A_378 : vector<16xf32>
    %mul3A_380 = arith.mulf %add3A_379, %bitcast_convert_type3A_369 : vector<16xf32>
    %add3A_381 = arith.constant -2.91453552 : f32
    %add3A_382 = vector.broadcast %add3A_381 : f32 to vector<16xf32>
    %add3A_383 = arith.addf %mul3A_380, %add3A_382 : vector<16xf32>
    %mul3A_384 = arith.mulf %add3A_383, %bitcast_convert_type3A_369 : vector<16xf32>
    %add3A_385 = arith.constant 5.67359066 : f32
    %add3A_386 = vector.broadcast %add3A_385 : f32 to vector<16xf32>
    %add3A_387 = arith.addf %mul3A_384, %add3A_386 : vector<16xf32>
    %mul3A_388 = arith.mulf %add3A_387, %bitcast_convert_type3A_369 : vector<16xf32>
    %add3A_389 = arith.constant -7.39621734 : f32
    %add3A_390 = vector.broadcast %add3A_389 : f32 to vector<16xf32>
    %add3A_391 = arith.addf %mul3A_388, %add3A_390 : vector<16xf32>
    %mul3A_392 = arith.mulf %add3A_391, %bitcast_convert_type3A_369 : vector<16xf32>
    %add3A_393 = arith.constant 7.08513689 : f32
    %add3A_394 = vector.broadcast %add3A_393 : f32 to vector<16xf32>
    %add3A_395 = arith.addf %mul3A_392, %add3A_394 : vector<16xf32>
    %mul3A_396 = arith.mulf %add3A_395, %bitcast_convert_type3A_369 : vector<16xf32>
    %add3A_397 = arith.constant -3.23521733 : f32
    %add3A_398 = vector.broadcast %add3A_397 : f32 to vector<16xf32>
    %add3A_399 = arith.addf %mul3A_396, %add3A_398 : vector<16xf32>
    %convert_element_type3A = arith.sitofp %sub3A_364 : vector<16xi32> to vector<16xf32>
    %add3A_400 = arith.addf %convert_element_type3A, %add3A_399 : vector<16xf32>
    %swap3A_401 = arith.constant 0 : index
    %swap3A_402 = tpu.vector_load %arg9[%swap3A_401] {strides = array<i32>} : memref<32xf32, #tpu.memory_space<vmem>>, vector<16xf32>,
    tpu.vector_store %arg9[%swap3A_401], %add3A_400 {strides = array<i32>} : memref<32xf32, #tpu.memory_space<vmem>>, vector<16xf32>,
    %add3A_403 = arith.constant 1.000000e+00 : f32
    %add3A_404 = vector.broadcast %add3A_403 : f32 to vector<16xf32>
    %add3A_405 = arith.addf %gather3A_357, %add3A_404 : vector<16xf32>
    %bitcast_convert_type3A_406 = tpu.bitcast %add3A_405 : vector<16xf32> -> vector<16xi32>
    %shift_right_logical3A_407 = arith.constant 23 : i32
    %shift_right_logical3A_408 = vector.broadcast %shift_right_logical3A_407 : i32 to vector<16xi32>
    %shift_right_logical3A_409 = arith.shrui %bitcast_convert_type3A_406, %shift_right_logical3A_408 : vector<16xi32>
    %sub3A_410 = arith.constant 127 : i32
    %sub3A_411 = vector.broadcast %sub3A_410 : i32 to vector<16xi32>
    %sub3A_412 = arith.subi %shift_right_logical3A_409, %sub3A_411 : vector<16xi32>
    %and3A_413 = arith.constant 8388607 : i32
    %and3A_414 = vector.broadcast %and3A_413 : i32 to vector<16xi32>
    %and3A_415 = arith.andi %bitcast_convert_type3A_406, %and3A_414 : vector<16xi32>
    %or3A_416 = arith.constant 1065353216 : i32
    %or3A_417 = vector.broadcast %or3A_416 : i32 to vector<16xi32>
    %or3A_418 = arith.ori %and3A_415, %or3A_417 : vector<16xi32>
    %bitcast_convert_type3A_419 = tpu.bitcast %or3A_418 : vector<16xi32> -> vector<16xf32>
    %broadcast_in_dim3A_420 = arith.constant 0.0145987505 : f32
    %broadcast_in_dim3A_421 = vector.broadcast %broadcast_in_dim3A_420 : f32 to vector<16xf32>
    %mul3A_422 = arith.mulf %broadcast_in_dim3A_421, %bitcast_convert_type3A_419 : vector<16xf32>
    %add3A_423 = arith.constant -0.178112864 : f32
    %add3A_424 = vector.broadcast %add3A_423 : f32 to vector<16xf32>
    %add3A_425 = arith.addf %mul3A_422, %add3A_424 : vector<16xf32>
    %mul3A_426 = arith.mulf %add3A_425, %bitcast_convert_type3A_419 : vector<16xf32>
    %add3A_427 = arith.constant 0.950757503 : f32
    %add3A_428 = vector.broadcast %add3A_427 : f32 to vector<16xf32>
    %add3A_429 = arith.addf %mul3A_426, %add3A_428 : vector<16xf32>
    %mul3A_430 = arith.mulf %add3A_429, %bitcast_convert_type3A_419 : vector<16xf32>
    %add3A_431 = arith.constant -2.91453552 : f32
    %add3A_432 = vector.broadcast %add3A_431 : f32 to vector<16xf32>
    %add3A_433 = arith.addf %mul3A_430, %add3A_432 : vector<16xf32>
    %mul3A_434 = arith.mulf %add3A_433, %bitcast_convert_type3A_419 : vector<16xf32>
    %add3A_435 = arith.constant 5.67359066 : f32
    %add3A_436 = vector.broadcast %add3A_435 : f32 to vector<16xf32>
    %add3A_437 = arith.addf %mul3A_434, %add3A_436 : vector<16xf32>
    %mul3A_438 = arith.mulf %add3A_437, %bitcast_convert_type3A_419 : vector<16xf32>
    %add3A_439 = arith.constant -7.39621734 : f32
    %add3A_440 = vector.broadcast %add3A_439 : f32 to vector<16xf32>
    %add3A_441 = arith.addf %mul3A_438, %add3A_440 : vector<16xf32>
    %mul3A_442 = arith.mulf %add3A_441, %bitcast_convert_type3A_419 : vector<16xf32>
    %add3A_443 = arith.constant 7.08513689 : f32
    %add3A_444 = vector.broadcast %add3A_443 : f32 to vector<16xf32>
    %add3A_445 = arith.addf %mul3A_442, %add3A_444 : vector<16xf32>
    %mul3A_446 = arith.mulf %add3A_445, %bitcast_convert_type3A_419 : vector<16xf32>
    %add3A_447 = arith.constant -3.23521733 : f32
    %add3A_448 = vector.broadcast %add3A_447 : f32 to vector<16xf32>
    %add3A_449 = arith.addf %mul3A_446, %add3A_448 : vector<16xf32>
    %convert_element_type3A_450 = arith.sitofp %sub3A_412 : vector<16xi32> to vector<16xf32>
    %add3A_451 = arith.addf %convert_element_type3A_450, %add3A_449 : vector<16xf32>
    %swap3A_452 = arith.constant 16 : index
    %swap3A_453 = tpu.vector_load %arg9[%swap3A_452] {strides = array<i32>} : memref<32xf32, #tpu.memory_space<vmem>>, vector<16xf32>,
    tpu.vector_store %arg9[%swap3A_452], %add3A_451 {strides = array<i32>} : memref<32xf32, #tpu.memory_space<vmem>>, vector<16xf32>,
    %add3A_454 = arith.constant 0 : i32
    %add3A_455 = vector.broadcast %add3A_454 : i32 to vector<16xi32>
    %add3A_456 = arith.addi %iota3A, %add3A_455 : vector<16xi32>
    %shift_right_logical3A_457 = arith.constant 3 : i32
    %shift_right_logical3A_458 = vector.broadcast %shift_right_logical3A_457 : i32 to vector<16xi32>
    %shift_right_logical3A_459 = arith.shrui %add3A_456, %shift_right_logical3A_458 : vector<16xi32>
    %gather3A_460 = tpu.vector_load_idx %arg9[%shift_right_logical3A_459] : memref<32xf32, #tpu.memory_space<vmem>>[vector<16xi32>], vector<16xf32>,
    %get3A_461 = arith.constant 0 : index
    %get3A_462 = tpu.vector_load %arg8[%get3A_461] {strides = array<i32>} : memref<256xf32, #tpu.memory_space<vmem>>, vector<16xf32>,
    %mul3A_463 = arith.mulf %gather3A_460, %get3A_462 : vector<16xf32>
    %swap3A_464 = arith.constant 0 : index
    %swap3A_465 = tpu.vector_load %arg10[%swap3A_464] {strides = array<i32>} : memref<256xf32, #tpu.memory_space<vmem>>, vector<16xf32>,
    tpu.vector_store %arg10[%swap3A_464], %mul3A_463 {strides = array<i32>} : memref<256xf32, #tpu.memory_space<vmem>>, vector<16xf32>,
    %add3A_466 = arith.constant 16 : i32
    %add3A_467 = vector.broadcast %add3A_466 : i32 to vector<16xi32>
    %add3A_468 = arith.addi %iota3A, %add3A_467 : vector<16xi32>
    %shift_right_logical3A_469 = arith.constant 3 : i32
    %shift_right_logical3A_470 = vector.broadcast %shift_right_logical3A_469 : i32 to vector<16xi32>
    %shift_right_logical3A_471 = arith.shrui %add3A_468, %shift_right_logical3A_470 : vector<16xi32>
    %gather3A_472 = tpu.vector_load_idx %arg9[%shift_right_logical3A_471] : memref<32xf32, #tpu.memory_space<vmem>>[vector<16xi32>], vector<16xf32>,
    %get3A_473 = arith.constant 16 : index
    %get3A_474 = tpu.vector_load %arg8[%get3A_473] {strides = array<i32>} : memref<256xf32, #tpu.memory_space<vmem>>, vector<16xf32>,
    %mul3A_475 = arith.mulf %gather3A_472, %get3A_474 : vector<16xf32>
    %swap3A_476 = arith.constant 16 : index
    %swap3A_477 = tpu.vector_load %arg10[%swap3A_476] {strides = array<i32>} : memref<256xf32, #tpu.memory_space<vmem>>, vector<16xf32>,
    tpu.vector_store %arg10[%swap3A_476], %mul3A_475 {strides = array<i32>} : memref<256xf32, #tpu.memory_space<vmem>>, vector<16xf32>,
    %add3A_478 = arith.constant 32 : i32
    %add3A_479 = vector.broadcast %add3A_478 : i32 to vector<16xi32>
    %add3A_480 = arith.addi %iota3A, %add3A_479 : vector<16xi32>
    %shift_right_logical3A_481 = arith.constant 3 : i32
    %shift_right_logical3A_482 = vector.broadcast %shift_right_logical3A_481 : i32 to vector<16xi32>
    %shift_right_logical3A_483 = arith.shrui %add3A_480, %shift_right_logical3A_482 : vector<16xi32>
    %gather3A_484 = tpu.vector_load_idx %arg9[%shift_right_logical3A_483] : memref<32xf32, #tpu.memory_space<vmem>>[vector<16xi32>], vector<16xf32>,
    %get3A_485 = arith.constant 32 : index
    %get3A_486 = tpu.vector_load %arg8[%get3A_485] {strides = array<i32>} : memref<256xf32, #tpu.memory_space<vmem>>, vector<16xf32>,
    %mul3A_487 = arith.mulf %gather3A_484, %get3A_486 : vector<16xf32>
    %swap3A_488 = arith.constant 32 : index
    %swap3A_489 = tpu.vector_load %arg10[%swap3A_488] {strides = array<i32>} : memref<256xf32, #tpu.memory_space<vmem>>, vector<16xf32>,
    tpu.vector_store %arg10[%swap3A_488], %mul3A_487 {strides = array<i32>} : memref<256xf32, #tpu.memory_space<vmem>>, vector<16xf32>,
    %add3A_490 = arith.constant 48 : i32
    %add3A_491 = vector.broadcast %add3A_490 : i32 to vector<16xi32>
    %add3A_492 = arith.addi %iota3A, %add3A_491 : vector<16xi32>
    %shift_right_logical3A_493 = arith.constant 3 : i32
    %shift_right_logical3A_494 = vector.broadcast %shift_right_logical3A_493 : i32 to vector<16xi32>
    %shift_right_logical3A_495 = arith.shrui %add3A_492, %shift_right_logical3A_494 : vector<16xi32>
    %gather3A_496 = tpu.vector_load_idx %arg9[%shift_right_logical3A_495] : memref<32xf32, #tpu.memory_space<vmem>>[vector<16xi32>], vector<16xf32>,
    %get3A_497 = arith.constant 48 : index
    %get3A_498 = tpu.vector_load %arg8[%get3A_497] {strides = array<i32>} : memref<256xf32, #tpu.memory_space<vmem>>, vector<16xf32>,
    %mul3A_499 = arith.mulf %gather3A_496, %get3A_498 : vector<16xf32>
    %swap3A_500 = arith.constant 48 : index
    %swap3A_501 = tpu.vector_load %arg10[%swap3A_500] {strides = array<i32>} : memref<256xf32, #tpu.memory_space<vmem>>, vector<16xf32>,
    tpu.vector_store %arg10[%swap3A_500], %mul3A_499 {strides = array<i32>} : memref<256xf32, #tpu.memory_space<vmem>>, vector<16xf32>,
    %add3A_502 = arith.constant 64 : i32
    %add3A_503 = vector.broadcast %add3A_502 : i32 to vector<16xi32>
    %add3A_504 = arith.addi %iota3A, %add3A_503 : vector<16xi32>
    %shift_right_logical3A_505 = arith.constant 3 : i32
    %shift_right_logical3A_506 = vector.broadcast %shift_right_logical3A_505 : i32 to vector<16xi32>
    %shift_right_logical3A_507 = arith.shrui %add3A_504, %shift_right_logical3A_506 : vector<16xi32>
    %gather3A_508 = tpu.vector_load_idx %arg9[%shift_right_logical3A_507] : memref<32xf32, #tpu.memory_space<vmem>>[vector<16xi32>], vector<16xf32>,
    %get3A_509 = arith.constant 64 : index
    %get3A_510 = tpu.vector_load %arg8[%get3A_509] {strides = array<i32>} : memref<256xf32, #tpu.memory_space<vmem>>, vector<16xf32>,
    %mul3A_511 = arith.mulf %gather3A_508, %get3A_510 : vector<16xf32>
    %swap3A_512 = arith.constant 64 : index
    %swap3A_513 = tpu.vector_load %arg10[%swap3A_512] {strides = array<i32>} : memref<256xf32, #tpu.memory_space<vmem>>, vector<16xf32>,
    tpu.vector_store %arg10[%swap3A_512], %mul3A_511 {strides = array<i32>} : memref<256xf32, #tpu.memory_space<vmem>>, vector<16xf32>,
    %add3A_514 = arith.constant 80 : i32
    %add3A_515 = vector.broadcast %add3A_514 : i32 to vector<16xi32>
    %add3A_516 = arith.addi %iota3A, %add3A_515 : vector<16xi32>
    %shift_right_logical3A_517 = arith.constant 3 : i32
    %shift_right_logical3A_518 = vector.broadcast %shift_right_logical3A_517 : i32 to vector<16xi32>
    %shift_right_logical3A_519 = arith.shrui %add3A_516, %shift_right_logical3A_518 : vector<16xi32>
    %gather3A_520 = tpu.vector_load_idx %arg9[%shift_right_logical3A_519] : memref<32xf32, #tpu.memory_space<vmem>>[vector<16xi32>], vector<16xf32>,
    %get3A_521 = arith.constant 80 : index
    %get3A_522 = tpu.vector_load %arg8[%get3A_521] {strides = array<i32>} : memref<256xf32, #tpu.memory_space<vmem>>, vector<16xf32>,
    %mul3A_523 = arith.mulf %gather3A_520, %get3A_522 : vector<16xf32>
    %swap3A_524 = arith.constant 80 : index
    %swap3A_525 = tpu.vector_load %arg10[%swap3A_524] {strides = array<i32>} : memref<256xf32, #tpu.memory_space<vmem>>, vector<16xf32>,
    tpu.vector_store %arg10[%swap3A_524], %mul3A_523 {strides = array<i32>} : memref<256xf32, #tpu.memory_space<vmem>>, vector<16xf32>,
    %add3A_526 = arith.constant 96 : i32
    %add3A_527 = vector.broadcast %add3A_526 : i32 to vector<16xi32>
    %add3A_528 = arith.addi %iota3A, %add3A_527 : vector<16xi32>
    %shift_right_logical3A_529 = arith.constant 3 : i32
    %shift_right_logical3A_530 = vector.broadcast %shift_right_logical3A_529 : i32 to vector<16xi32>
    %shift_right_logical3A_531 = arith.shrui %add3A_528, %shift_right_logical3A_530 : vector<16xi32>
    %gather3A_532 = tpu.vector_load_idx %arg9[%shift_right_logical3A_531] : memref<32xf32, #tpu.memory_space<vmem>>[vector<16xi32>], vector<16xf32>,
    %get3A_533 = arith.constant 96 : index
    %get3A_534 = tpu.vector_load %arg8[%get3A_533] {strides = array<i32>} : memref<256xf32, #tpu.memory_space<vmem>>, vector<16xf32>,
    %mul3A_535 = arith.mulf %gather3A_532, %get3A_534 : vector<16xf32>
    %swap3A_536 = arith.constant 96 : index
    %swap3A_537 = tpu.vector_load %arg10[%swap3A_536] {strides = array<i32>} : memref<256xf32, #tpu.memory_space<vmem>>, vector<16xf32>,
    tpu.vector_store %arg10[%swap3A_536], %mul3A_535 {strides = array<i32>} : memref<256xf32, #tpu.memory_space<vmem>>, vector<16xf32>,
    %add3A_538 = arith.constant 112 : i32
    %add3A_539 = vector.broadcast %add3A_538 : i32 to vector<16xi32>
    %add3A_540 = arith.addi %iota3A, %add3A_539 : vector<16xi32>
    %shift_right_logical3A_541 = arith.constant 3 : i32
    %shift_right_logical3A_542 = vector.broadcast %shift_right_logical3A_541 : i32 to vector<16xi32>
    %shift_right_logical3A_543 = arith.shrui %add3A_540, %shift_right_logical3A_542 : vector<16xi32>
    %gather3A_544 = tpu.vector_load_idx %arg9[%shift_right_logical3A_543] : memref<32xf32, #tpu.memory_space<vmem>>[vector<16xi32>], vector<16xf32>,
    %get3A_545 = arith.constant 112 : index
    %get3A_546 = tpu.vector_load %arg8[%get3A_545] {strides = array<i32>} : memref<256xf32, #tpu.memory_space<vmem>>, vector<16xf32>,
    %mul3A_547 = arith.mulf %gather3A_544, %get3A_546 : vector<16xf32>
    %swap3A_548 = arith.constant 112 : index
    %swap3A_549 = tpu.vector_load %arg10[%swap3A_548] {strides = array<i32>} : memref<256xf32, #tpu.memory_space<vmem>>, vector<16xf32>,
    tpu.vector_store %arg10[%swap3A_548], %mul3A_547 {strides = array<i32>} : memref<256xf32, #tpu.memory_space<vmem>>, vector<16xf32>,
    %add3A_550 = arith.constant 128 : i32
    %add3A_551 = vector.broadcast %add3A_550 : i32 to vector<16xi32>
    %add3A_552 = arith.addi %iota3A, %add3A_551 : vector<16xi32>
    %shift_right_logical3A_553 = arith.constant 3 : i32
    %shift_right_logical3A_554 = vector.broadcast %shift_right_logical3A_553 : i32 to vector<16xi32>
    %shift_right_logical3A_555 = arith.shrui %add3A_552, %shift_right_logical3A_554 : vector<16xi32>
    %gather3A_556 = tpu.vector_load_idx %arg9[%shift_right_logical3A_555] : memref<32xf32, #tpu.memory_space<vmem>>[vector<16xi32>], vector<16xf32>,
    %get3A_557 = arith.constant 128 : index
    %get3A_558 = tpu.vector_load %arg8[%get3A_557] {strides = array<i32>} : memref<256xf32, #tpu.memory_space<vmem>>, vector<16xf32>,
    %mul3A_559 = arith.mulf %gather3A_556, %get3A_558 : vector<16xf32>
    %swap3A_560 = arith.constant 128 : index
    %swap3A_561 = tpu.vector_load %arg10[%swap3A_560] {strides = array<i32>} : memref<256xf32, #tpu.memory_space<vmem>>, vector<16xf32>,
    tpu.vector_store %arg10[%swap3A_560], %mul3A_559 {strides = array<i32>} : memref<256xf32, #tpu.memory_space<vmem>>, vector<16xf32>,
    %add3A_562 = arith.constant 144 : i32
    %add3A_563 = vector.broadcast %add3A_562 : i32 to vector<16xi32>
    %add3A_564 = arith.addi %iota3A, %add3A_563 : vector<16xi32>
    %shift_right_logical3A_565 = arith.constant 3 : i32
    %shift_right_logical3A_566 = vector.broadcast %shift_right_logical3A_565 : i32 to vector<16xi32>
    %shift_right_logical3A_567 = arith.shrui %add3A_564, %shift_right_logical3A_566 : vector<16xi32>
    %gather3A_568 = tpu.vector_load_idx %arg9[%shift_right_logical3A_567] : memref<32xf32, #tpu.memory_space<vmem>>[vector<16xi32>], vector<16xf32>,
    %get3A_569 = arith.constant 144 : index
    %get3A_570 = tpu.vector_load %arg8[%get3A_569] {strides = array<i32>} : memref<256xf32, #tpu.memory_space<vmem>>, vector<16xf32>,
    %mul3A_571 = arith.mulf %gather3A_568, %get3A_570 : vector<16xf32>
    %swap3A_572 = arith.constant 144 : index
    %swap3A_573 = tpu.vector_load %arg10[%swap3A_572] {strides = array<i32>} : memref<256xf32, #tpu.memory_space<vmem>>, vector<16xf32>,
    tpu.vector_store %arg10[%swap3A_572], %mul3A_571 {strides = array<i32>} : memref<256xf32, #tpu.memory_space<vmem>>, vector<16xf32>,
    %add3A_574 = arith.constant 160 : i32
    %add3A_575 = vector.broadcast %add3A_574 : i32 to vector<16xi32>
    %add3A_576 = arith.addi %iota3A, %add3A_575 : vector<16xi32>
    %shift_right_logical3A_577 = arith.constant 3 : i32
    %shift_right_logical3A_578 = vector.broadcast %shift_right_logical3A_577 : i32 to vector<16xi32>
    %shift_right_logical3A_579 = arith.shrui %add3A_576, %shift_right_logical3A_578 : vector<16xi32>
    %gather3A_580 = tpu.vector_load_idx %arg9[%shift_right_logical3A_579] : memref<32xf32, #tpu.memory_space<vmem>>[vector<16xi32>], vector<16xf32>,
    %get3A_581 = arith.constant 160 : index
    %get3A_582 = tpu.vector_load %arg8[%get3A_581] {strides = array<i32>} : memref<256xf32, #tpu.memory_space<vmem>>, vector<16xf32>,
    %mul3A_583 = arith.mulf %gather3A_580, %get3A_582 : vector<16xf32>
    %swap3A_584 = arith.constant 160 : index
    %swap3A_585 = tpu.vector_load %arg10[%swap3A_584] {strides = array<i32>} : memref<256xf32, #tpu.memory_space<vmem>>, vector<16xf32>,
    tpu.vector_store %arg10[%swap3A_584], %mul3A_583 {strides = array<i32>} : memref<256xf32, #tpu.memory_space<vmem>>, vector<16xf32>,
    %add3A_586 = arith.constant 176 : i32
    %add3A_587 = vector.broadcast %add3A_586 : i32 to vector<16xi32>
    %add3A_588 = arith.addi %iota3A, %add3A_587 : vector<16xi32>
    %shift_right_logical3A_589 = arith.constant 3 : i32
    %shift_right_logical3A_590 = vector.broadcast %shift_right_logical3A_589 : i32 to vector<16xi32>
    %shift_right_logical3A_591 = arith.shrui %add3A_588, %shift_right_logical3A_590 : vector<16xi32>
    %gather3A_592 = tpu.vector_load_idx %arg9[%shift_right_logical3A_591] : memref<32xf32, #tpu.memory_space<vmem>>[vector<16xi32>], vector<16xf32>,
    %get3A_593 = arith.constant 176 : index
    %get3A_594 = tpu.vector_load %arg8[%get3A_593] {strides = array<i32>} : memref<256xf32, #tpu.memory_space<vmem>>, vector<16xf32>,
    %mul3A_595 = arith.mulf %gather3A_592, %get3A_594 : vector<16xf32>
    %swap3A_596 = arith.constant 176 : index
    %swap3A_597 = tpu.vector_load %arg10[%swap3A_596] {strides = array<i32>} : memref<256xf32, #tpu.memory_space<vmem>>, vector<16xf32>,
    tpu.vector_store %arg10[%swap3A_596], %mul3A_595 {strides = array<i32>} : memref<256xf32, #tpu.memory_space<vmem>>, vector<16xf32>,
    %add3A_598 = arith.constant 192 : i32
    %add3A_599 = vector.broadcast %add3A_598 : i32 to vector<16xi32>
    %add3A_600 = arith.addi %iota3A, %add3A_599 : vector<16xi32>
    %shift_right_logical3A_601 = arith.constant 3 : i32
    %shift_right_logical3A_602 = vector.broadcast %shift_right_logical3A_601 : i32 to vector<16xi32>
    %shift_right_logical3A_603 = arith.shrui %add3A_600, %shift_right_logical3A_602 : vector<16xi32>
    %gather3A_604 = tpu.vector_load_idx %arg9[%shift_right_logical3A_603] : memref<32xf32, #tpu.memory_space<vmem>>[vector<16xi32>], vector<16xf32>,
    %get3A_605 = arith.constant 192 : index
    %get3A_606 = tpu.vector_load %arg8[%get3A_605] {strides = array<i32>} : memref<256xf32, #tpu.memory_space<vmem>>, vector<16xf32>,
    %mul3A_607 = arith.mulf %gather3A_604, %get3A_606 : vector<16xf32>
    %swap3A_608 = arith.constant 192 : index
    %swap3A_609 = tpu.vector_load %arg10[%swap3A_608] {strides = array<i32>} : memref<256xf32, #tpu.memory_space<vmem>>, vector<16xf32>,
    tpu.vector_store %arg10[%swap3A_608], %mul3A_607 {strides = array<i32>} : memref<256xf32, #tpu.memory_space<vmem>>, vector<16xf32>,
    %add3A_610 = arith.constant 208 : i32
    %add3A_611 = vector.broadcast %add3A_610 : i32 to vector<16xi32>
    %add3A_612 = arith.addi %iota3A, %add3A_611 : vector<16xi32>
    %shift_right_logical3A_613 = arith.constant 3 : i32
    %shift_right_logical3A_614 = vector.broadcast %shift_right_logical3A_613 : i32 to vector<16xi32>
    %shift_right_logical3A_615 = arith.shrui %add3A_612, %shift_right_logical3A_614 : vector<16xi32>
    %gather3A_616 = tpu.vector_load_idx %arg9[%shift_right_logical3A_615] : memref<32xf32, #tpu.memory_space<vmem>>[vector<16xi32>], vector<16xf32>,
    %get3A_617 = arith.constant 208 : index
    %get3A_618 = tpu.vector_load %arg8[%get3A_617] {strides = array<i32>} : memref<256xf32, #tpu.memory_space<vmem>>, vector<16xf32>,
    %mul3A_619 = arith.mulf %gather3A_616, %get3A_618 : vector<16xf32>
    %swap3A_620 = arith.constant 208 : index
    %swap3A_621 = tpu.vector_load %arg10[%swap3A_620] {strides = array<i32>} : memref<256xf32, #tpu.memory_space<vmem>>, vector<16xf32>,
    tpu.vector_store %arg10[%swap3A_620], %mul3A_619 {strides = array<i32>} : memref<256xf32, #tpu.memory_space<vmem>>, vector<16xf32>,
    %add3A_622 = arith.constant 224 : i32
    %add3A_623 = vector.broadcast %add3A_622 : i32 to vector<16xi32>
    %add3A_624 = arith.addi %iota3A, %add3A_623 : vector<16xi32>
    %shift_right_logical3A_625 = arith.constant 3 : i32
    %shift_right_logical3A_626 = vector.broadcast %shift_right_logical3A_625 : i32 to vector<16xi32>
    %shift_right_logical3A_627 = arith.shrui %add3A_624, %shift_right_logical3A_626 : vector<16xi32>
    %gather3A_628 = tpu.vector_load_idx %arg9[%shift_right_logical3A_627] : memref<32xf32, #tpu.memory_space<vmem>>[vector<16xi32>], vector<16xf32>,
    %get3A_629 = arith.constant 224 : index
    %get3A_630 = tpu.vector_load %arg8[%get3A_629] {strides = array<i32>} : memref<256xf32, #tpu.memory_space<vmem>>, vector<16xf32>,
    %mul3A_631 = arith.mulf %gather3A_628, %get3A_630 : vector<16xf32>
    %swap3A_632 = arith.constant 224 : index
    %swap3A_633 = tpu.vector_load %arg10[%swap3A_632] {strides = array<i32>} : memref<256xf32, #tpu.memory_space<vmem>>, vector<16xf32>,
    tpu.vector_store %arg10[%swap3A_632], %mul3A_631 {strides = array<i32>} : memref<256xf32, #tpu.memory_space<vmem>>, vector<16xf32>,
    %add3A_634 = arith.constant 240 : i32
    %add3A_635 = vector.broadcast %add3A_634 : i32 to vector<16xi32>
    %add3A_636 = arith.addi %iota3A, %add3A_635 : vector<16xi32>
    %shift_right_logical3A_637 = arith.constant 3 : i32
    %shift_right_logical3A_638 = vector.broadcast %shift_right_logical3A_637 : i32 to vector<16xi32>
    %shift_right_logical3A_639 = arith.shrui %add3A_636, %shift_right_logical3A_638 : vector<16xi32>
    %gather3A_640 = tpu.vector_load_idx %arg9[%shift_right_logical3A_639] : memref<32xf32, #tpu.memory_space<vmem>>[vector<16xi32>], vector<16xf32>,
    %get3A_641 = arith.constant 240 : index
    %get3A_642 = tpu.vector_load %arg8[%get3A_641] {strides = array<i32>} : memref<256xf32, #tpu.memory_space<vmem>>, vector<16xf32>,
    %mul3A_643 = arith.mulf %gather3A_640, %get3A_642 : vector<16xf32>
    %swap3A_644 = arith.constant 240 : index
    %swap3A_645 = tpu.vector_load %arg10[%swap3A_644] {strides = array<i32>} : memref<256xf32, #tpu.memory_space<vmem>>, vector<16xf32>,
    tpu.vector_store %arg10[%swap3A_644], %mul3A_643 {strides = array<i32>} : memref<256xf32, #tpu.memory_space<vmem>>, vector<16xf32>,
    "tpu.region"() ({
      %run_scoped3A = tpu.sem_alloc : memref<!tpu.dma_semaphore, #tpu.memory_space<semaphore_mem>>
      %dma_start3A_646 = arith.constant 0 : i32
      %dma_start3A_647 = tpu.memref_slice %arg4[%add3A, %dma_start3A_646] : memref<32x256xf32, #tpu.memory_space<hbm>> -> memref<1x256xf32, #tpu.memory_space<hbm>>
      %dma_start3A_648 = tpu.memref_squeeze %dma_start3A_647 : memref<1x256xf32, #tpu.memory_space<hbm>> -> memref<256xf32, #tpu.memory_space<hbm>>
      %dma_start3A_649 = arith.constant 0 : i32
      %dma_start3A_650 = tpu.memref_slice %arg4[%add3A, %dma_start3A_649] : memref<32x256xf32, #tpu.memory_space<hbm>> -> memref<1x256xf32, #tpu.memory_space<hbm>>
      %dma_start3A_651 = tpu.memref_squeeze %dma_start3A_650 : memref<1x256xf32, #tpu.memory_space<hbm>> -> memref<256xf32, #tpu.memory_space<hbm>>
      tpu.enqueue_dma source(%arg10 : memref<256xf32, #tpu.memory_space<vmem>>) target(%dma_start3A_651 : memref<256xf32, #tpu.memory_space<hbm>>) target_semaphore(%run_scoped3A : memref<!tpu.dma_semaphore, #tpu.memory_space<semaphore_mem>>)
      %dma_wait3A_652 = arith.constant 0 : i32
      %dma_wait3A_653 = tpu.memref_slice %arg4[%add3A, %dma_wait3A_652] : memref<32x256xf32, #tpu.memory_space<hbm>> -> memref<1x256xf32, #tpu.memory_space<hbm>>
      %dma_wait3A_654 = tpu.memref_squeeze %dma_wait3A_653 : memref<1x256xf32, #tpu.memory_space<hbm>> -> memref<256xf32, #tpu.memory_space<hbm>>
      %dma_wait3A_655 = arith.constant 0 : i32
      %dma_wait3A_656 = tpu.memref_slice %arg4[%add3A, %dma_wait3A_655] : memref<32x256xf32, #tpu.memory_space<hbm>> -> memref<1x256xf32, #tpu.memory_space<hbm>>
      %dma_wait3A_657 = tpu.memref_squeeze %dma_wait3A_656 : memref<1x256xf32, #tpu.memory_space<hbm>> -> memref<256xf32, #tpu.memory_space<hbm>>
      tpu.wait_dma2 semaphore(%run_scoped3A : memref<!tpu.dma_semaphore, #tpu.memory_space<semaphore_mem>>) src(%arg10 : memref<256xf32, #tpu.memory_space<vmem>>) dst(%dma_wait3A_657 : memref<256xf32, #tpu.memory_space<hbm>>)
      tpu.yield
    }) : () -> ()
    return
  }
}

</mosaic_0001>

<sc_bundles>
// kernel: _run.3.cloned.1.call-start
scs
__scs_entry_jumppad:
0x0: {  	(pc) =	sbr.rel $0x88, $3  }
0x1: {  	(tag) =	ssettag $0x0;
	lr =	simm.s32 $0x1  }
0x2: {  	[smem:$0x3F9F] =	sst lr;
	_ =	strace $0xD0000000  }
0x3: {  	_ = 	snop  }
0x4: {  	_ = 	snop  }
0x5: {  	_ = 	snop  }
0x6: {  	_ = 	snop  }
0x7: {  	_ = 	snop  }
__scs_overlays_trampoline_lowered:
0x8: {  	[smem:$0x3FAE] =	sst s0  }
0x9: {  	[smem:$0x3FAF] =	sst s1  }
0xa: {  	[smem:$0x3FB0] =	sst s2  }
0xb: {  	[smem:$0x3FB1] =	sst s3  }
0xc: {  	[smem:$0x3FB2] =	sst s4  }
0xd: {  	[smem:$0x3FB3] =	sst s5  }
0xe: {  	[smem:$0x3FB4] =	sst s6  }
0xf: {  	[smem:$0x3FB5] =	sst s7  }
0x10: {  	[smem:$0x3FB6] =	sst s8  }
0x11: {  	[smem:$0x3FB7] =	sst s9;
	s0 =	simm.s32 @!p0 $0x0  }
0x12: {  	s1 =	sld [smem:$0x3F9D];
	s0 =	simm.s32 @p0 $0x1  }
0x13: {  	[smem:$0x3FB8] =	sst s0;
	s0 =	simm.s32 @!p1 $0x0  }
0x14: {  	s2 =	sld [smem:$0x3F9C];
	s0 =	simm.s32 @p1 $0x1  }
0x15: {  	[smem:$0x3FB9] =	sst s0;
	s0 =	simm.s32 @!p2 $0x0  }
0x16: {  	s3 =	sld [smem:$0x3FDB];
	s0 =	simm.s32 @p2 $0x1  }
0x17: {  	s4 =	simm.s32 $0x1BF5;
	[smem:$0x3FBB] =	sst s0  }
0x18: {  	s0 =	sld [smem:$0x3F9E];
	_ =	swait.ge [sflag:s4], $0x0  }
0x19: {  	s7 =	sld [smem:$0x3F9F]  }
0x1a: {  	s8 =	sadd.s32 $0xFFFFE003, lr  }
0x1b: {  	s9 =	sadd.s32 $0xFFFFFEF7, lr;
	s5 =	simm.s32 $0xFFFFFFFF;
	p2 =	slt.u32 s8, $0xFFFFF086  }
0x1c: {  	p1 =	slt.u32 s9, $0xF7A;
	s5 =	simm.s32 @!p2 $0x0  }
0x1d: {  	s5 =	simm.s32 @p1 $0x1;
	p0 =	seq.s32 s7, s2  }
0x1e: {  	s7 =	smul.u32 @!p0 $0xF7A, s2;
	p2 =	seq.s32 @!p0 s5, $0x0  }
0x1f: {  	s9 =	smul.u32 $0xF7A, s1;
	s8 =	simm.s32 @!p0 $0x1BF5;
	p2 =	por !p2, p0  }
0x20: {  	[sflag:s8] =	ssyncset.s32 @!p0 $0xFFFFF086;
	s6 =	sadd.s32 @!p0 s3, s7;
	s7 =	simm.s32 @!p0 $0x108  }
0x21: {  	s3 =	sadd.s32 s3, s9;
	s6 =	sadd.s32 @!p0 $0x88, s6;
	s7 =	simm.s32 @p2 $0x1082  }
0x22: {  	[simem:s7], [sflag:s8] =	dma.local @!p0 [hbm:s6], $0xF7A  }
0x23: {  	s9 =	sor.u32 $0xD0000000, s2;
	s6 =	simm.s32 $0x108;
	_ =	swait.ge @!p0 [sflag:s8], $0x0  }
0x24: {  	s3 =	sadd.s32 $0x88, s3;
	s6 =	simm.s32 @!p1 $0x1082;
	[sflag:s4] =	ssyncset.s32 $0xFFFFF086  }
0x25: {  	[simem:s6], [sflag:s4] =	dma.local [hbm:s3], $0xF7A  }
0x26: {  	[smem:$0x3F9F] =	sst s1;
	(tag) =	ssettag s2;
	_ =	strace s9  }
0x27: {  	s1 =	sld [smem:$0x3FAF]  }
0x28: {  	s2 =	sld [smem:$0x3FB0]  }
0x29: {  	s4 =	sld [smem:$0x3FB2]  }
0x2a: {  	p0 =	seq.s32 s5, $0x0;
	s5 =	sld [smem:$0x3FB3]  }
0x2b: {  	s6 =	sld [smem:$0x3FB4]  }
0x2c: {  	s7 =	sld [smem:$0x3FB5]  }
0x2d: {  	s3 =	simm.s32 $0x108;
	s8 =	sld [smem:$0x3FB6]  }
0x2e: {  	s3 =	simm.s32 @!p0 $0x1082;
	s9 =	sld [smem:$0x3FB7]  }
0x2f: {  	lr =	sadd.s32 s0, s3;
	s0 =	sld [smem:$0x3FAE]  }
0x30: {  	s3 =	sld [smem:$0x3FB1]  }
0x31: {  	[smem:$0x3FBA] =	sst s10  }
0x32: {  	s10 =	sld [smem:$0x3FB8];
	_ =	sdelay $0x3  }
0x33: {  	p0 =	seq.s32 s10, $0x1;
	s10 =	sld [smem:$0x3FBA];
	_ =	sdelay $0x3  }
0x34: {  	[smem:$0x3FBA] =	sst s10  }
0x35: {  	s10 =	sld [smem:$0x3FB9];
	_ =	sdelay $0x3  }
0x36: {  	p1 =	seq.s32 s10, $0x1;
	s10 =	sld [smem:$0x3FBA];
	_ =	sdelay $0x3  }
0x37: {  	[smem:$0x3FBA] =	sst s10  }
0x38: {  	s10 =	sld [smem:$0x3FBB]  }
0x39: {  	_ = 	snop;
	(pc) =	sbr.ind lr, $3  }
0x3a: {  	_ = 	snop  }
0x3b: {  	_ = 	snop  }
0x3c: {  	p2 =	seq.s32 s10, $0x1;
	s10 =	sld [smem:$0x3FBA]  }
0x3d: {  	_ =	shalt  }
0x3e: {  	_ =	shalt  }
0x3f: {  	_ =	shalt  }
0x40: {  	_ =	shalt  }
0x41: {  	_ =	shalt  }
0x42: {  	_ =	shalt  }
0x43: {  	_ =	shalt  }
0x44: {  	_ =	shalt  }
0x45: {  	_ =	shalt  }
0x46: {  	_ =	shalt  }
0x47: {  	_ =	shalt  }
0x48: {  	_ =	shalt  }
0x49: {  	_ =	shalt  }
0x4a: {  	_ =	shalt  }
0x4b: {  	_ =	shalt  }
0x4c: {  	_ =	shalt  }
0x4d: {  	_ =	shalt  }
0x4e: {  	_ =	shalt  }
0x4f: {  	_ =	shalt  }
0x50: {  	_ =	shalt  }
0x51: {  	_ =	shalt  }
0x52: {  	_ =	shalt  }
0x53: {  	_ =	shalt  }
0x54: {  	_ =	shalt  }
0x55: {  	_ =	shalt  }
0x56: {  	_ =	shalt  }
0x57: {  	_ =	shalt  }
0x58: {  	_ =	shalt  }
0x59: {  	_ =	shalt  }
0x5a: {  	_ =	shalt  }
0x5b: {  	_ =	shalt  }
0x5c: {  	_ =	shalt  }
0x5d: {  	_ =	shalt  }
0x5e: {  	_ =	shalt  }
0x5f: {  	_ =	shalt  }
0x60: {  	_ =	shalt  }
0x61: {  	_ =	shalt  }
0x62: {  	_ =	shalt  }
0x63: {  	_ =	shalt  }
0x64: {  	_ =	shalt  }
0x65: {  	_ =	shalt  }
0x66: {  	_ =	shalt  }
0x67: {  	_ =	shalt  }
0x68: {  	_ =	shalt  }
0x69: {  	_ =	shalt  }
0x6a: {  	_ =	shalt  }
0x6b: {  	_ =	shalt  }
0x6c: {  	_ =	shalt  }
0x6d: {  	_ =	shalt  }
0x6e: {  	_ =	shalt  }
0x6f: {  	_ =	shalt  }
0x70: {  	_ =	shalt  }
0x71: {  	_ =	shalt  }
0x72: {  	_ =	shalt  }
0x73: {  	_ =	shalt  }
0x74: {  	_ =	shalt  }
0x75: {  	_ =	shalt  }
0x76: {  	_ =	shalt  }
0x77: {  	_ =	shalt  }
0x78: {  	_ =	shalt  }
0x79: {  	_ =	shalt  }
0x7a: {  	_ =	shalt  }
0x7b: {  	_ =	shalt  }
0x7c: {  	_ =	shalt  }
0x7d: {  	_ =	shalt  }
0x7e: {  	_ =	shalt  }
0x7f: {  	_ =	shalt  }
0x80: {  	_ =	shalt  }
0x81: {  	_ =	shalt  }
0x82: {  	_ =	shalt  }
0x83: {  	_ =	shalt  }
0x84: {  	_ =	shalt  }
0x85: {  	_ =	shalt  }
0x86: {  	_ =	shalt  }
0x87: {  	_ =	shalt  }
.Lfunc_end0:
.L_simem_size_0:
called_computation_lowered:
.L_overlay_start_0:
0x88: {  	s2 =	sld [smem:$0x3FD9]  }
0x89: {  	s3 =	sld [smem:$0x3FFE];
	_ =	sdelay $0x1  }
0x8a: {  	s1 =	srdreg.scid  }
0x8b: {  	s0 =	sand.u32 $0x1, s1  }
0x8c: {  	s18 =	sshll.u32 s0, $0xA;
	s2 =	sadd.s32 s3, s2  }
0x8d: {  	s2 =	sadd.s32 s2, s18  }
0x8e: {  	[smem:$0x3FC6] =	sst s2  }
0x8f: {  	_ = 	snop  }
0x90: {  	s2 =	sld [smem:$0x3FC9]  }
0x91: {  	s19 =	sld [smem:$0x3FC8]  }
0x92: {  	s4 =	sld [smem:$0x3FD0];
	(tm) =	ssettm $0x1  }
0x93: {  	s5 =	sld [smem:$0x3FFB];
	_ =	sdelay $0x3  }
0x94: {  	_ =	strace s5  }
0x95: {  	s5 =	sld [smem:$0x3FFC];
	_ =	sdelay $0x3  }
0x96: {  	_ =	strace s5  }
0x97: {  	s5 =	sld [smem:$0x3FFD];
	_ =	sdelay $0x3  }
0x98: {  	_ =	strace s5  }
0x99: {  	_ =	strace $0x8FFFFFFF  }
0x9a: {  	s20 =	sld [smem:$0x3FDB];
	_ =	sdelay $0x1  }
0x9b: {  	s6 =	simm.s32 $_scs_section_size  }
0x9c: {  	s7 =	simm.s32 $_size__tile_overlayer_lowered;
	s8 =	simm.s32 $_tile_overlayer_lowered  }
0x9d: {  	s23 =	simm.s32 $0x1BFF;
	s22 =	sshll.u32 s8, $0x1;
	s5 =	sadd.s32 s6, s20  }
0x9e: {  	s9 =	simm.s32 $0x0;
	s21 =	sshll.u32 s7, $0x1;
	s7 =	sadd.s32 s22, s5  }
0x9f: {  	[timem:s9], [sflag:s23] =	dma.local [hbm:s7], s21  }
0xa0: {  	_ =	swait.ge [sflag:s23], s21  }
0xa1: {  	s6 =	ssub.s32 $0x0, s21;
	[sflag:s23] =	ssyncset.done $0x0  }
0xa2: {  	[sflag:s23] =	ssyncadd.s32 s6;
	_ =	sdelay $0x1  }
0xa3: {  	s24 =	simm.s32 $0x1B8B  }
0xa4: {  	_ =	swait.ge [sflag:s24], $0x1  }
0xa5: {  	[sflag:s24] =	ssyncset.done $0x0  }
0xa6: {  	s25 =	simm.s32 $0x1B8E;
	[sflag:s24] =	ssyncadd.s32 $0xFFFFFFFF  }
0xa7: {  	s26 =	simm.s32 $execute0_lowered;
	[smem:$0x3FD2] =	sst s25  }
0xa8: {  	s6 =	sshll.u32 s26, $0x1;
	_ =	strace $0x80000046;
	[dreg:$0x1] =	wrdreg $0xFFFFFFFF  }
0xa9: {  	s28 =	simm.s32 $_size_execute0_lowered;
	s5 =	sadd.s32 s5, s6;
	[dreg:$0x0] =	wrdreg $0x0  }
0xaa: {  	s6 =	sshll.u32 s28, $0x1;
	[dreg:$0x2] =	wrdreg s5  }
0xab: {  	[dreg:$0x3] =	wrdreg s6  }
0xac: {  	[dreg:$0x4] =	wrdreg $0xC0  }
0xad: {  	_ =	task [dreg:s9], $0x5FFFF  }
0xae: {  	[dreg:$0x1] =	wrdreg $0xFFFFFFFF  }
0xaf: {  	[dreg:$0x0] =	wrdreg $0x60  }
0xb0: {  	[dreg:$0x2] =	wrdreg s2  }
0xb1: {  	[dreg:$0x3] =	wrdreg s19  }
0xb2: {  	[dreg:$0x4] =	wrdreg s4  }
0xb3: {  	[dreg:$0x5] =	wrdreg $0x9  }
0xb4: {  	_ =	task.clear_ibuf [dreg:s9], $0x6FFFF;
	_ =	strace $0x90000046  }
0xb5: {  	s29 =	simm.s32 $0x9;
	_ =	strace $0x80000048  }
0xb6: {  	_ =	swait.ge [sflag:s29], $0x1  }
0xb7: {  	[sflag:s29] =	ssyncadd.s32 $0xFFFFFFFF  }
0xb8: {  	_ =	strace $0x90000048  }
0xb9: {  	_ =	sfence  }
0xba: {  	s30 =	sld [smem:$0x0];
	_ =	sdelay $0x2  }
0xbb: {  	s31 =	sshll.u32 s1, $0xD;
	s1 =	sshrl.u32 s1, $0x2  }
0xbc: {  	s3 =	sand.u32 $0x4000, s31;
	s1 =	sadd.s32 s1, s30  }
0xbd: {  	s0 =	sor.u32 s3, s0;
	s1 =	sshll.u32 s1, $0x11  }
0xbe: {  	s0 =	sor.u32 s1, s0  }
0xbf: {  	s0 =	sadd.s32 $0x8F2B, s0  }
0xc0: {  	[sflag:s0] =	ssyncadd.remote.s32 $0x1  }
0xc1: {  	_ =	sfence.sel $0xFFFF  }
0xc2: {  	[dreg:$0x0] =	wrdreg $0xFFFFFFFF;
	(pc) =	sbr.abs _section_cstart, $3  }
0xc3: {  	[dreg:$0x1] =	wrdreg $0xFFFFFFFF  }
0xc4: {  	_ =	task.clear_ibuf [dreg:s9], $0x2FFFF;
	_ =	strace $0x9FFFFFFF  }
0xc5: {  	(tm) =	ssettm $0x7FFFFFFF  }
tec
execute0_lowered:
.L_overlay_start_1:
0x0: {  	(tag) =	ssettag $0x1  }
0x1: {  	s4 =	rddreg [dreg:$0x0]  }
0x2: {  	s2 =	rddreg [dreg:$0x1]  }
0x3: {  	s8 =	rddreg [dreg:$0x2]  }
0x4: {  	s0 =	rddreg [dreg:$0x3];
	s5 =	srdreg.scid  }
0x5: {  	s1 =	stileid.u32;
	s3 =	simm.s32 $0x0;
	s11 =	simm.s32 $0x400  }
0x6: {  	s12 =	simm.s32 $0x8200;
	s13 =	simm.s32 $0x3;
	s14 =	simm.s32 $0x4000  }
0x7: {  	s15 =	simm.s32 $0x1;
	s16 =	simm.s32 $0x8000;
	s17 =	simm.s32 $0x2  }
0x8: {  	s18 =	simm.s32 $0x8300;
	s19 =	simm.s32 $0x8380;
	s20 =	simm.s32 $0x0  }
0x9: {  	v0 =	vlaneseq.u32;
	s5 =	sand.u32 $0x1, s5;
	s6 =	sshll.u32 s1, $0x8;
	s7 =	sshrl.u32 s1, $0x2  }
0xa: {  	v1 =	vimm.f32 $0.0e+00;
	v2 =	vimm.f32 $1.000000000e+00;
	[smem:$0x7FF] =	sst s3;
	v5 =	vshrl.u32 v0, $0x3;
	s9 =	sshll.u32 s5, $0x7;
	s6 =	sand.u32 $0x300, s6  }
0xb: {  	v4 =	vmul.u32 $0x10, v0;
	s10 =	sshll.u32 s7, $0x13;
	_ =	strace $0x80000047;
	s5 =	ssub.s32 $0x2, s5;
	v6 =	vor.u32 $0x2, v5;
	v7 =	vor.u32 $0x4, v5  }
0xc: {  	s7 =	sshll.u32 s7, $0xB;
	v8 =	vor.u32 $0x6, v5;
	v9 =	vor.u32 $0x8, v5;
	v10 =	vor.u32 $0xA, v5;
	s6 =	sor.u32 s9, s6;
	s29 =	sshrl.u32 s5, $0x1  }
0xd: {  	v11 =	vor.u32 $0xC, v5;
	v12 =	vor.u32 $0xE, v5;
	v13 =	vor.u32 $0x10, v5;
	s9 =	sor.u32 s10, s6;
	s6 =	sor.u32 s7, s6;
	s30 =	ssub.s32 s5, s29  }
0xe: {  	v14 =	vor.u32 $0x12, v5;
	v15 =	vor.u32 $0x14, v5;
	v16 =	vor.u32 $0x16, v5;
	s10 =	simm.s32 $0x80;
	s9 =	sshrl.u32 s9, $0x3;
	s31 =	sshrl.u32 s6, $0x3  }
0xf: {  	v17 =	vor.u32 $0x18, v5;
	v18 =	vor.u32 $0x1A, v5;
	v19 =	vor.u32 $0x1C, v5;
	s4 =	sadd.s32 s4, s9;
	s8 =	sadd.s32 s8, s31;
	s9 =	smax.u32 s30, $0x1  }
0x10: {  	v20 =	vor.u32 $0x1E, v5;
	v3 =	vor.u32 $0xF, v4;
	v4 =	vor.u32 $0x10F, v4;
	s5 =	sadd.s32 $0x4000, s4;
	s6 =	sadd.s32 $0x8000, s4;
	s7 =	sadd.s32 $0xC000, s4  }
.LBB2_1:
0x11: {  	[tilespmem:s3], [sflag:$0x1] =	stream.strided.gather [hbm4b:s4+s10], $0x4000, s11, s10, $0x38;
	[tilespmem:$0x8480] =	vst v63  }
0x12: {  	_ = 	snop  }
0x13: {  	[tilespmem:s12], [sflag:$0x3] =	stream.linear.gather [hbm4b:s2+s3], $0x100, $0x38;
	[tilespmem:$0x8480] =	vst v63  }
0x14: {  	_ =	swait.ge [sflag:s13], $0x100  }
0x15: {  	[sflag:s13] =	ssyncset.done $0x0  }
0x16: {  	[sflag:s13] =	ssyncadd.s32 $0xFFFFFF00  }
0x17: {  	[tilespmem:$0x8000] =	vst v1  }
0x18: {  	[tilespmem:$0x8010] =	vst v1  }
0x19: {  	[tilespmem:$0x8020] =	vst v1  }
0x1a: {  	[tilespmem:$0x8030] =	vst v1  }
0x1b: {  	[tilespmem:$0x8040] =	vst v1  }
0x1c: {  	[tilespmem:$0x8050] =	vst v1  }
0x1d: {  	[tilespmem:$0x8060] =	vst v1  }
0x1e: {  	[tilespmem:$0x8070] =	vst v1  }
0x1f: {  	[tilespmem:$0x8080] =	vst v1  }
0x20: {  	[tilespmem:$0x8090] =	vst v1  }
0x21: {  	[tilespmem:$0x80A0] =	vst v1  }
0x22: {  	[tilespmem:$0x80B0] =	vst v1  }
0x23: {  	[tilespmem:$0x80C0] =	vst v1  }
0x24: {  	[tilespmem:$0x80D0] =	vst v1  }
0x25: {  	[tilespmem:$0x80E0] =	vst v1  }
0x26: {  	[tilespmem:$0x80F0] =	vst v1  }
0x27: {  	[tilespmem:$0x8100] =	vst v1  }
0x28: {  	[tilespmem:$0x8110] =	vst v1  }
0x29: {  	[tilespmem:$0x8120] =	vst v1  }
0x2a: {  	[tilespmem:$0x8130] =	vst v1  }
0x2b: {  	[tilespmem:$0x8140] =	vst v1  }
0x2c: {  	[tilespmem:$0x8150] =	vst v1  }
0x2d: {  	[tilespmem:$0x8160] =	vst v1  }
0x2e: {  	[tilespmem:$0x8170] =	vst v1  }
0x2f: {  	[tilespmem:$0x8180] =	vst v1  }
0x30: {  	[tilespmem:$0x8190] =	vst v1  }
0x31: {  	[tilespmem:$0x81A0] =	vst v1  }
0x32: {  	[tilespmem:$0x81B0] =	vst v1  }
0x33: {  	[tilespmem:$0x81C0] =	vst v1  }
0x34: {  	[tilespmem:$0x81D0] =	vst v1  }
0x35: {  	[tilespmem:$0x81E0] =	vst v1  }
0x36: {  	[tilespmem:$0x81F0] =	vst v1  }
0x37: {  	[tilespmem:s14], [sflag:$0x2] =	stream.strided.gather [hbm4b:s5+s10], $0x4000, s11, s10, $0x38;
	[tilespmem:$0x8480] =	vst v63  }
0x38: {  	_ =	swait.ge [sflag:s15], $0x4000  }
0x39: {  	[sflag:s15] =	ssyncset.done $0x0  }
0x3a: {  	s21 =	simm.s32 $0x40;
	[sflag:s15] =	ssyncadd.s32 $0xFFFFC000  }
0x3b: {  	v21 =	vld [tilespmem:s21+$0x30]  }
0x3c: {  	v22 =	vld [tilespmem:s21+$0xFFFFFFD0]  }
0x3d: {  	v23 =	vld [tilespmem:s21+$0xFFFFFFE0]  }
0x3e: {  	v24 =	vld [tilespmem:s21+$0xFFFFFFF0]  }
0x3f: {  	v25 =	vld [tilespmem:s21+$0x0]  }
0x40: {  	v26 =	vld [tilespmem:s21+$0x10]  }
0x41: {  	v27 =	vld [tilespmem:s21+$0xFFFFFFC0]  }
0x42: {  	s31 =	simm.s32 $0xC0;
	v28 =	vld [tilespmem:s21+$0x20]  }
0x43: {  	v29 =	vld [tilespmem:s31+$0x30];
	v21 =	vmul.f32 $1.600000000e+01, v21  }
0x44: {  	v32 =	vld [tilespmem:s31+$0xFFFFFFF0];
	v22 =	vmul.f32 $1.600000000e+01, v22;
	v23 =	vmul.f32 $1.600000000e+01, v23  }
0x45: {  	v24 =	vmul.f32 $1.600000000e+01, v24;
	v25 =	vmul.f32 $1.600000000e+01, v25  }
0x46: {  	v26 =	vmul.f32 $1.600000000e+01, v26;
	v27 =	vmul.f32 $1.600000000e+01, v27;
	v21 =	vadd.f32 $1.600000000e+01, v21  }
0x47: {  	v28 =	vmul.f32 $1.600000000e+01, v28;
	v22 =	vadd.f32 $1.600000000e+01, v22;
	v23 =	vadd.f32 $1.600000000e+01, v23  }
0x48: {  	v29 =	vmul.f32 $1.600000000e+01, v29;
	v24 =	vadd.f32 $1.600000000e+01, v24;
	v25 =	vadd.f32 $1.600000000e+01, v25  }
0x49: {  	v32 =	vmul.f32 $1.600000000e+01, v32;
	v26 =	vadd.f32 $1.600000000e+01, v26;
	v27 =	vadd.f32 $1.600000000e+01, v27  }
0x4a: {  	v28 =	vadd.f32 $1.600000000e+01, v28;
	v21 =	vmin.f32 v21, $3.150000000e+01;
	v22 =	vmin.f32 v22, $3.150000000e+01  }
0x4b: {  	v23 =	vmin.f32 v23, $3.150000000e+01;
	v24 =	vmin.f32 v24, $3.150000000e+01;
	v21 =	vtrunc.f32 v21  }
0x4c: {  	v27 =	vmin.f32 v27, $3.150000000e+01;
	v22 =	vtrunc.f32 v22;
	v23 =	vtrunc.f32 v23  }
0x4d: {  	v25 =	vmin.f32 v25, $3.150000000e+01;
	v27 =	vtrunc.f32 v27;
	v24 =	vtrunc.f32 v24  }
0x4e: {  	v26 =	vmin.f32 v26, $3.150000000e+01;
	v25 =	vtrunc.f32 v25;
	v21 =	vcvt.f32.s32 v21  }
0x4f: {  	v28 =	vmin.f32 v28, $3.150000000e+01;
	v26 =	vtrunc.f32 v26;
	v25 =	vcvt.f32.s32 v25  }
0x50: {  	v31 =	vld [tilespmem:s31+$0xFFFFFFD0];
	v28 =	vtrunc.f32 v28;
	v27 =	vcvt.f32.s32 v27;
	v21 =	vshll.u32 v21, $0x4  }
0x51: {  	v35 =	vshll.u32 v25, $0x4;
	v25 =	vld [tilespmem:s31+$0x10];
	v30 =	vor.u32 v0, v21;
	v21 =	vcvt.f32.s32 v22  }
0x52: {  	v29 =	vadd.f32 $1.600000000e+01, v29;
	v24 =	vcvt.f32.s32 v24;
	v22 =	vcvt.f32.s32 v23;
	v23 =	vld [tilespmem:s31+$0xFFFFFFE0]  }
0x53: {  	v33 =	vshll.u32 v21, $0x4;
	v21 =	vcvt.f32.s32 v26;
	v26 =	vcvt.f32.s32 v28;
	v28 =	vld [tilespmem:s31+$0x0]  }
0x54: {  	v27 =	vshll.u32 v27, $0x4;
	v24 =	vshll.u32 v24, $0x4;
	v34 =	vshll.u32 v22, $0x4  }
0x55: {  	v22 =	vshll.u32 v21, $0x4;
	v21 =	vshll.u32 v26, $0x4;
	v26 =	vmul.f32 $1.600000000e+01, v31;
	v31 =	vld [tilespmem:s31+$0x20]  }
0x56: {  	v36 =	vld [tilespmem:s31+$0xFFFFFFC0];
	v27 =	vor.u32 v0, v27;
	v37 =	vor.u32 v0, v24;
	v33 =	vor.u32 v0, v33  }
0x57: {  	v34 =	vor.u32 v0, v34;
	v25 =	vmul.f32 $1.600000000e+01, v25;
	v23 =	vmul.f32 $1.600000000e+01, v23  }
0x58: {  	v26 =	vadd.f32 $1.600000000e+01, v26;
	v24 =	vmul.f32 $1.600000000e+01, v28;
	v28 =	vmin.f32 v29, $3.150000000e+01  }
0x59: {  	v25 =	vadd.f32 $1.600000000e+01, v25;
	v23 =	vadd.f32 $1.600000000e+01, v23;
	v28 =	vtrunc.f32 v28  }
0x5a: {  	v62 =	vadd.f32 $1.600000000e+01, v24;
	v24 =	vmul.f32 $1.600000000e+01, v31;
	v28 =	vcvt.f32.s32 v28  }
0x5b: {  	v29 =	vadd.f32 $1.600000000e+01, v32;
	v26 =	vmin.f32 v26, $3.150000000e+01;
	v31 =	vmul.f32 $1.600000000e+01, v36  }
0x5c: {  	[tilespmem:v30+s16+$0x0] =	vst.idx.add.f32.msk $0xffff, v2;
	v30 =	vmin.f32 v25, $3.150000000e+01;
	v63 =	vadd.f32 $1.600000000e+01, v24;
	v24 =	vshll.u32 v28, $0x4  }
0x5d: {  	[tilespmem:v27+s16+$0x0] =	vst.idx.add.f32.msk $0xffff, v2;
	v23 =	vmin.f32 v23, $3.150000000e+01;
	v27 =	vadd.f32 $1.600000000e+01, v31;
	v24 =	vor.u32 v0, v24  }
0x5e: {  	[tilespmem:v37+s16+$0x0] =	vst.idx.add.f32.msk $0xffff, v2;
	v38 =	vmin.f32 v29, $3.150000000e+01;
	v26 =	vtrunc.f32 v26;
	v25 =	vtrunc.f32 v23  }
0x5f: {  	[tilespmem:v33+s16+$0x0] =	vst.idx.add.f32.msk $0xffff, v2;
	v23 =	vor.u32 v0, v35;
	v29 =	vmin.f32 v62, $3.150000000e+01;
	v27 =	vmin.f32 v27, $3.150000000e+01  }
0x60: {  	s22 =	simm.s32 $0x140;
	s21 =	simm.s32 $0x8;
	[tilespmem:v34+s16+$0x0] =	vst.idx.add.f32.msk $0xffff, v2;
	v28 =	vmin.f32 v63, $3.150000000e+01;
	v31 =	vtrunc.f32 v27;
	v27 =	vtrunc.f32 v38  }
.LBB2_2:
0x61: {  	v32 =	vld [tilespmem:s22+$0x30];
	v29 =	vtrunc.f32 v29;
	v30 =	vtrunc.f32 v30;
	v33 =	vor.u32 v0, v22  }
0x62: {  	s21 =	sadd.s32 $0x8, s21;
	v22 =	vcvt.f32.s32 v31;
	v28 =	vtrunc.f32 v28;
	[tilespmem:v24+s16+$0x0] =	vst.idx.add.f32.msk $0xffff, v2;
	v24 =	vor.u32 v0, v21  }
0x63: {  	v25 =	vcvt.f32.s32 v25;
	p0 =	slt.u32 s21, $0x3F8;
	v21 =	vcvt.f32.s32 v26;
	v31 =	vld [tilespmem:s22+$0xFFFFFFD0]  }
0x64: {  	v34 =	vshll.u32 v22, $0x4;
	v22 =	vcvt.f32.s32 v27;
	v27 =	vcvt.f32.s32 v29;
	v26 =	vld [tilespmem:s22+$0xFFFFFFE0]  }
0x65: {  	v28 =	vcvt.f32.s32 v28;
	v35 =	vshll.u32 v21, $0x4;
	v21 =	vcvt.f32.s32 v30;
	v29 =	vld [tilespmem:s22+$0xFFFFFFF0]  }
0x66: {  	v25 =	vshll.u32 v25, $0x4;
	v36 =	vshll.u32 v22, $0x4;
	v37 =	vshll.u32 v27, $0x4;
	v30 =	vld [tilespmem:s22+$0x0]  }
0x67: {  	v32 =	vmul.f32 $1.600000000e+01, v32;
	v22 =	vshll.u32 v21, $0x4;
	v21 =	vshll.u32 v28, $0x4;
	v27 =	vld [tilespmem:s22+$0x10]  }
0x68: {  	v34 =	vor.u32 v0, v34;
	v35 =	vor.u32 v0, v35;
	v28 =	vmul.f32 $1.600000000e+01, v31;
	v31 =	vld [tilespmem:s22+$0x20]  }
0x69: {  	v25 =	vor.u32 v0, v25;
	v32 =	vadd.f32 $1.600000000e+01, v32;
	v38 =	vld [tilespmem:s22+$0xFFFFFFC0];
	v26 =	vmul.f32 $1.600000000e+01, v26  }
0x6a: {  	v36 =	vor.u32 v0, v36;
	v28 =	vadd.f32 $1.600000000e+01, v28;
	v29 =	vmul.f32 $1.600000000e+01, v29;
	[tilespmem:v23+s16+$0x0] =	vst.idx.add.f32.msk $0xffff, v2  }
0x6b: {  	v23 =	vadd.f32 $1.600000000e+01, v26;
	v26 =	vmul.f32 $1.600000000e+01, v30;
	v30 =	vmin.f32 v32, $3.150000000e+01;
	[tilespmem:v33+s16+$0x0] =	vst.idx.add.f32.msk $0xffff, v2  }
0x6c: {  	v29 =	vadd.f32 $1.600000000e+01, v29;
	v27 =	vmul.f32 $1.600000000e+01, v27;
	v30 =	vtrunc.f32 v30;
	[tilespmem:v24+s16+$0x0] =	vst.idx.add.f32.msk $0xffff, v2  }
0x6d: {  	v26 =	vadd.f32 $1.600000000e+01, v26;
	v24 =	vmul.f32 $1.600000000e+01, v31;
	v30 =	vcvt.f32.s32 v30;
	[tilespmem:v34+s16+$0x0] =	vst.idx.add.f32.msk $0xffff, v2  }
0x6e: {  	v32 =	vmin.f32 v28, $3.150000000e+01;
	v31 =	vmul.f32 $1.600000000e+01, v38;
	v27 =	vadd.f32 $1.600000000e+01, v27;
	[tilespmem:v35+s16+$0x0] =	vst.idx.add.f32.msk $0xffff, v2  }
.Ltmp0:
0x6f: {  	v23 =	vmin.f32 v23, $3.150000000e+01;
	v28 =	vadd.f32 $1.600000000e+01, v24;
	v24 =	vshll.u32 v30, $0x4;
	[tilespmem:v25+s16+$0x0] =	vst.idx.add.f32.msk $0xffff, v2;
	(pc) =	sbr.rel @p0 .LBB2_2-.Ltmp0, $4  }
0x70: {  	v33 =	vmin.f32 v29, $3.150000000e+01;
	v25 =	vadd.f32 $1.600000000e+01, v31;
	v24 =	vor.u32 v0, v24;
	[tilespmem:v36+s16+$0x0] =	vst.idx.add.f32.msk $0xffff, v2  }
0x71: {  	v29 =	vmin.f32 v26, $3.150000000e+01;
	v30 =	vmin.f32 v27, $3.150000000e+01;
	v28 =	vmin.f32 v28, $3.150000000e+01  }
0x72: {  	v26 =	vtrunc.f32 v32;
	v27 =	vmin.f32 v25, $3.150000000e+01;
	v25 =	vtrunc.f32 v23  }
0x73: {  	s22 =	sadd.s32 $0x80, s22;
	v23 =	vor.u32 v0, v37;
	v31 =	vtrunc.f32 v27;
	v27 =	vtrunc.f32 v33  }
0x74: {  	v29 =	vtrunc.f32 v29  }
0x75: {  	v30 =	vtrunc.f32 v30;
	v31 =	vcvt.f32.s32 v31  }
0x76: {  	v22 =	vor.u32 v0, v22;
	v28 =	vtrunc.f32 v28;
	v26 =	vcvt.f32.s32 v26  }
0x77: {  	v21 =	vor.u32 v0, v21;
	v25 =	vcvt.f32.s32 v25;
	v31 =	vshll.u32 v31, $0x4  }
0x78: {  	v27 =	vcvt.f32.s32 v27;
	v26 =	vshll.u32 v26, $0x4;
	v31 =	vor.u32 v0, v31  }
0x79: {  	[tilespmem:v23+s16+$0x0] =	vst.idx.add.f32.msk $0xffff, v2;
	v23 =	vcvt.f32.s32 v28;
	v25 =	vshll.u32 v25, $0x4;
	v26 =	vor.u32 v0, v26  }
0x7a: {  	[tilespmem:v24+s16+$0x0] =	vst.idx.add.f32.msk $0xffff, v2;
	v24 =	vcvt.f32.s32 v29;
	v27 =	vshll.u32 v27, $0x4;
	v25 =	vor.u32 v0, v25  }
0x7b: {  	v29 =	vcvt.f32.s32 v30;
	v27 =	vor.u32 v0, v27;
	v23 =	vshll.u32 v23, $0x4;
	[tilespmem:v22+s16+$0x0] =	vst.idx.add.f32.msk $0xffff, v2  }
0x7c: {  	v24 =	vshll.u32 v24, $0x4;
	v23 =	vor.u32 v0, v23;
	[tilespmem:v21+s16+$0x0] =	vst.idx.add.f32.msk $0xffff, v2  }
0x7d: {  	v22 =	vshll.u32 v29, $0x4;
	v21 =	vor.u32 v0, v24;
	[tilespmem:v31+s16+$0x0] =	vst.idx.add.f32.msk $0xffff, v2  }
0x7e: {  	v22 =	vor.u32 v0, v22;
	[tilespmem:v26+s16+$0x0] =	vst.idx.add.f32.msk $0xffff, v2  }
0x7f: {  	[tilespmem:v25+s16+$0x0] =	vst.idx.add.f32.msk $0xffff, v2  }
0x80: {  	[tilespmem:v27+s16+$0x0] =	vst.idx.add.f32.msk $0xffff, v2  }
0x81: {  	[tilespmem:v23+s16+$0x0] =	vst.idx.add.f32.msk $0xffff, v2  }
0x82: {  	[tilespmem:v21+s16+$0x0] =	vst.idx.add.f32.msk $0xffff, v2  }
0x83: {  	[tilespmem:v22+s16+$0x0] =	vst.idx.add.f32.msk $0xffff, v2  }
0x84: {  	[tilespmem:s3], [sflag:$0x1] =	stream.strided.gather [hbm4b:s6+s10], $0x4000, s11, s10, $0x38;
	[tilespmem:$0x8480] =	vst v63  }
0x85: {  	_ =	swait.ge [sflag:s17], $0x4000  }
0x86: {  	[sflag:s17] =	ssyncset.done $0x0  }
0x87: {  	s21 =	simm.s32 $0x4040;
	[sflag:s17] =	ssyncadd.s32 $0xFFFFC000  }
0x88: {  	v21 =	vld [tilespmem:s21+$0x30]  }
0x89: {  	v22 =	vld [tilespmem:s21+$0xFFFFFFD0]  }
0x8a: {  	v23 =	vld [tilespmem:s21+$0xFFFFFFE0]  }
0x8b: {  	v24 =	vld [tilespmem:s21+$0xFFFFFFF0]  }
0x8c: {  	v25 =	vld [tilespmem:s21+$0x0]  }
0x8d: {  	v26 =	vld [tilespmem:s21+$0x10]  }
0x8e: {  	v27 =	vld [tilespmem:s21+$0xFFFFFFC0]  }
0x8f: {  	s31 =	simm.s32 $0x40C0;
	v28 =	vld [tilespmem:s21+$0x20]  }
0x90: {  	v29 =	vld [tilespmem:s31+$0x30];
	v21 =	vmul.f32 $1.600000000e+01, v21  }
0x91: {  	v32 =	vld [tilespmem:s31+$0xFFFFFFF0];
	v22 =	vmul.f32 $1.600000000e+01, v22;
	v23 =	vmul.f32 $1.600000000e+01, v23  }
0x92: {  	v24 =	vmul.f32 $1.600000000e+01, v24;
	v25 =	vmul.f32 $1.600000000e+01, v25  }
0x93: {  	v26 =	vmul.f32 $1.600000000e+01, v26;
	v27 =	vmul.f32 $1.600000000e+01, v27;
	v21 =	vadd.f32 $1.600000000e+01, v21  }
0x94: {  	v28 =	vmul.f32 $1.600000000e+01, v28;
	v22 =	vadd.f32 $1.600000000e+01, v22;
	v23 =	vadd.f32 $1.600000000e+01, v23  }
0x95: {  	v29 =	vmul.f32 $1.600000000e+01, v29;
	v24 =	vadd.f32 $1.600000000e+01, v24;
	v25 =	vadd.f32 $1.600000000e+01, v25  }
0x96: {  	v32 =	vmul.f32 $1.600000000e+01, v32;
	v26 =	vadd.f32 $1.600000000e+01, v26;
	v27 =	vadd.f32 $1.600000000e+01, v27  }
0x97: {  	v28 =	vadd.f32 $1.600000000e+01, v28;
	v21 =	vmin.f32 v21, $3.150000000e+01;
	v22 =	vmin.f32 v22, $3.150000000e+01  }
0x98: {  	v23 =	vmin.f32 v23, $3.150000000e+01;
	v24 =	vmin.f32 v24, $3.150000000e+01;
	v21 =	vtrunc.f32 v21  }
0x99: {  	v27 =	vmin.f32 v27, $3.150000000e+01;
	v22 =	vtrunc.f32 v22;
	v23 =	vtrunc.f32 v23  }
0x9a: {  	v25 =	vmin.f32 v25, $3.150000000e+01;
	v27 =	vtrunc.f32 v27;
	v24 =	vtrunc.f32 v24  }
0x9b: {  	v26 =	vmin.f32 v26, $3.150000000e+01;
	v25 =	vtrunc.f32 v25;
	v21 =	vcvt.f32.s32 v21  }
0x9c: {  	v28 =	vmin.f32 v28, $3.150000000e+01;
	v26 =	vtrunc.f32 v26;
	v25 =	vcvt.f32.s32 v25  }
0x9d: {  	v31 =	vld [tilespmem:s31+$0xFFFFFFD0];
	v28 =	vtrunc.f32 v28;
	v27 =	vcvt.f32.s32 v27;
	v21 =	vshll.u32 v21, $0x4  }
0x9e: {  	v35 =	vshll.u32 v25, $0x4;
	v25 =	vld [tilespmem:s31+$0x10];
	v30 =	vor.u32 v0, v21;
	v21 =	vcvt.f32.s32 v22  }
0x9f: {  	v29 =	vadd.f32 $1.600000000e+01, v29;
	v24 =	vcvt.f32.s32 v24;
	v22 =	vcvt.f32.s32 v23;
	v23 =	vld [tilespmem:s31+$0xFFFFFFE0]  }
0xa0: {  	v33 =	vshll.u32 v21, $0x4;
	v21 =	vcvt.f32.s32 v26;
	v26 =	vcvt.f32.s32 v28;
	v28 =	vld [tilespmem:s31+$0x0]  }
0xa1: {  	v27 =	vshll.u32 v27, $0x4;
	v24 =	vshll.u32 v24, $0x4;
	v34 =	vshll.u32 v22, $0x4  }
0xa2: {  	v22 =	vshll.u32 v21, $0x4;
	v21 =	vshll.u32 v26, $0x4;
	v26 =	vmul.f32 $1.600000000e+01, v31;
	v31 =	vld [tilespmem:s31+$0x20]  }
0xa3: {  	v36 =	vld [tilespmem:s31+$0xFFFFFFC0];
	v27 =	vor.u32 v0, v27;
	v37 =	vor.u32 v0, v24;
	v33 =	vor.u32 v0, v33  }
0xa4: {  	v34 =	vor.u32 v0, v34;
	v25 =	vmul.f32 $1.600000000e+01, v25;
	v23 =	vmul.f32 $1.600000000e+01, v23  }
0xa5: {  	v26 =	vadd.f32 $1.600000000e+01, v26;
	v24 =	vmul.f32 $1.600000000e+01, v28;
	v28 =	vmin.f32 v29, $3.150000000e+01  }
0xa6: {  	v25 =	vadd.f32 $1.600000000e+01, v25;
	v23 =	vadd.f32 $1.600000000e+01, v23;
	v28 =	vtrunc.f32 v28  }
0xa7: {  	v62 =	vadd.f32 $1.600000000e+01, v24;
	v24 =	vmul.f32 $1.600000000e+01, v31;
	v28 =	vcvt.f32.s32 v28  }
0xa8: {  	v29 =	vadd.f32 $1.600000000e+01, v32;
	v26 =	vmin.f32 v26, $3.150000000e+01;
	v31 =	vmul.f32 $1.600000000e+01, v36  }
0xa9: {  	[tilespmem:v30+s16+$0x0] =	vst.idx.add.f32.msk $0xffff, v2;
	v30 =	vmin.f32 v25, $3.150000000e+01;
	v63 =	vadd.f32 $1.600000000e+01, v24;
	v24 =	vshll.u32 v28, $0x4  }
0xaa: {  	[tilespmem:v27+s16+$0x0] =	vst.idx.add.f32.msk $0xffff, v2;
	v23 =	vmin.f32 v23, $3.150000000e+01;
	v27 =	vadd.f32 $1.600000000e+01, v31;
	v24 =	vor.u32 v0, v24  }
0xab: {  	[tilespmem:v37+s16+$0x0] =	vst.idx.add.f32.msk $0xffff, v2;
	v38 =	vmin.f32 v29, $3.150000000e+01;
	v26 =	vtrunc.f32 v26;
	v25 =	vtrunc.f32 v23  }
0xac: {  	[tilespmem:v33+s16+$0x0] =	vst.idx.add.f32.msk $0xffff, v2;
	v23 =	vor.u32 v0, v35;
	v29 =	vmin.f32 v62, $3.150000000e+01;
	v27 =	vmin.f32 v27, $3.150000000e+01  }
0xad: {  	s22 =	simm.s32 $0x4140;
	s21 =	simm.s32 $0x8;
	[tilespmem:v34+s16+$0x0] =	vst.idx.add.f32.msk $0xffff, v2;
	v28 =	vmin.f32 v63, $3.150000000e+01;
	v31 =	vtrunc.f32 v27;
	v27 =	vtrunc.f32 v38  }
.LBB2_4:
0xae: {  	v32 =	vld [tilespmem:s22+$0x30];
	v29 =	vtrunc.f32 v29;
	v30 =	vtrunc.f32 v30;
	v33 =	vor.u32 v0, v22  }
0xaf: {  	s21 =	sadd.s32 $0x8, s21;
	v22 =	vcvt.f32.s32 v31;
	v28 =	vtrunc.f32 v28;
	[tilespmem:v24+s16+$0x0] =	vst.idx.add.f32.msk $0xffff, v2;
	v24 =	vor.u32 v0, v21  }
0xb0: {  	v25 =	vcvt.f32.s32 v25;
	p0 =	slt.u32 s21, $0x3F8;
	v21 =	vcvt.f32.s32 v26;
	v31 =	vld [tilespmem:s22+$0xFFFFFFD0]  }
0xb1: {  	v34 =	vshll.u32 v22, $0x4;
	v22 =	vcvt.f32.s32 v27;
	v27 =	vcvt.f32.s32 v29;
	v26 =	vld [tilespmem:s22+$0xFFFFFFE0]  }
0xb2: {  	v28 =	vcvt.f32.s32 v28;
	v35 =	vshll.u32 v21, $0x4;
	v21 =	vcvt.f32.s32 v30;
	v29 =	vld [tilespmem:s22+$0xFFFFFFF0]  }
0xb3: {  	v25 =	vshll.u32 v25, $0x4;
	v36 =	vshll.u32 v22, $0x4;
	v37 =	vshll.u32 v27, $0x4;
	v30 =	vld [tilespmem:s22+$0x0]  }
0xb4: {  	v32 =	vmul.f32 $1.600000000e+01, v32;
	v22 =	vshll.u32 v21, $0x4;
	v21 =	vshll.u32 v28, $0x4;
	v27 =	vld [tilespmem:s22+$0x10]  }
0xb5: {  	v34 =	vor.u32 v0, v34;
	v35 =	vor.u32 v0, v35;
	v28 =	vmul.f32 $1.600000000e+01, v31;
	v31 =	vld [tilespmem:s22+$0x20]  }
0xb6: {  	v25 =	vor.u32 v0, v25;
	v32 =	vadd.f32 $1.600000000e+01, v32;
	v38 =	vld [tilespmem:s22+$0xFFFFFFC0];
	v26 =	vmul.f32 $1.600000000e+01, v26  }
0xb7: {  	v36 =	vor.u32 v0, v36;
	v28 =	vadd.f32 $1.600000000e+01, v28;
	v29 =	vmul.f32 $1.600000000e+01, v29;
	[tilespmem:v23+s16+$0x0] =	vst.idx.add.f32.msk $0xffff, v2  }
0xb8: {  	v23 =	vadd.f32 $1.600000000e+01, v26;
	v26 =	vmul.f32 $1.600000000e+01, v30;
	v30 =	vmin.f32 v32, $3.150000000e+01;
	[tilespmem:v33+s16+$0x0] =	vst.idx.add.f32.msk $0xffff, v2  }
0xb9: {  	v29 =	vadd.f32 $1.600000000e+01, v29;
	v27 =	vmul.f32 $1.600000000e+01, v27;
	v30 =	vtrunc.f32 v30;
	[tilespmem:v24+s16+$0x0] =	vst.idx.add.f32.msk $0xffff, v2  }
0xba: {  	v26 =	vadd.f32 $1.600000000e+01, v26;
	v24 =	vmul.f32 $1.600000000e+01, v31;
	v30 =	vcvt.f32.s32 v30;
	[tilespmem:v34+s16+$0x0] =	vst.idx.add.f32.msk $0xffff, v2  }
0xbb: {  	v32 =	vmin.f32 v28, $3.150000000e+01;
	v31 =	vmul.f32 $1.600000000e+01, v38;
	v27 =	vadd.f32 $1.600000000e+01, v27;
	[tilespmem:v35+s16+$0x0] =	vst.idx.add.f32.msk $0xffff, v2  }
.Ltmp1:
0xbc: {  	v23 =	vmin.f32 v23, $3.150000000e+01;
	v28 =	vadd.f32 $1.600000000e+01, v24;
	v24 =	vshll.u32 v30, $0x4;
	[tilespmem:v25+s16+$0x0] =	vst.idx.add.f32.msk $0xffff, v2;
	(pc) =	sbr.rel @p0 .LBB2_4-.Ltmp1, $4  }
0xbd: {  	v33 =	vmin.f32 v29, $3.150000000e+01;
	v25 =	vadd.f32 $1.600000000e+01, v31;
	v24 =	vor.u32 v0, v24;
	[tilespmem:v36+s16+$0x0] =	vst.idx.add.f32.msk $0xffff, v2  }
0xbe: {  	v29 =	vmin.f32 v26, $3.150000000e+01;
	v30 =	vmin.f32 v27, $3.150000000e+01;
	v28 =	vmin.f32 v28, $3.150000000e+01  }
0xbf: {  	v26 =	vtrunc.f32 v32;
	v27 =	vmin.f32 v25, $3.150000000e+01;
	v25 =	vtrunc.f32 v23  }
0xc0: {  	s22 =	sadd.s32 $0x80, s22;
	v23 =	vor.u32 v0, v37;
	v31 =	vtrunc.f32 v27;
	v27 =	vtrunc.f32 v33  }
0xc1: {  	v29 =	vtrunc.f32 v29  }
0xc2: {  	v30 =	vtrunc.f32 v30;
	v31 =	vcvt.f32.s32 v31  }
0xc3: {  	v22 =	vor.u32 v0, v22;
	v28 =	vtrunc.f32 v28;
	v26 =	vcvt.f32.s32 v26  }
0xc4: {  	v21 =	vor.u32 v0, v21;
	v25 =	vcvt.f32.s32 v25;
	v31 =	vshll.u32 v31, $0x4  }
0xc5: {  	v27 =	vcvt.f32.s32 v27;
	v26 =	vshll.u32 v26, $0x4;
	v31 =	vor.u32 v0, v31  }
0xc6: {  	[tilespmem:v23+s16+$0x0] =	vst.idx.add.f32.msk $0xffff, v2;
	v23 =	vcvt.f32.s32 v28;
	v25 =	vshll.u32 v25, $0x4;
	v26 =	vor.u32 v0, v26  }
0xc7: {  	[tilespmem:v24+s16+$0x0] =	vst.idx.add.f32.msk $0xffff, v2;
	v24 =	vcvt.f32.s32 v29;
	v27 =	vshll.u32 v27, $0x4;
	v25 =	vor.u32 v0, v25  }
0xc8: {  	v29 =	vcvt.f32.s32 v30;
	v27 =	vor.u32 v0, v27;
	v23 =	vshll.u32 v23, $0x4;
	[tilespmem:v22+s16+$0x0] =	vst.idx.add.f32.msk $0xffff, v2  }
0xc9: {  	v24 =	vshll.u32 v24, $0x4;
	v23 =	vor.u32 v0, v23;
	[tilespmem:v21+s16+$0x0] =	vst.idx.add.f32.msk $0xffff, v2  }
0xca: {  	v22 =	vshll.u32 v29, $0x4;
	v21 =	vor.u32 v0, v24;
	[tilespmem:v31+s16+$0x0] =	vst.idx.add.f32.msk $0xffff, v2  }
0xcb: {  	v22 =	vor.u32 v0, v22;
	[tilespmem:v26+s16+$0x0] =	vst.idx.add.f32.msk $0xffff, v2  }
0xcc: {  	[tilespmem:v25+s16+$0x0] =	vst.idx.add.f32.msk $0xffff, v2  }
0xcd: {  	[tilespmem:v27+s16+$0x0] =	vst.idx.add.f32.msk $0xffff, v2  }
0xce: {  	[tilespmem:v23+s16+$0x0] =	vst.idx.add.f32.msk $0xffff, v2  }
0xcf: {  	[tilespmem:v21+s16+$0x0] =	vst.idx.add.f32.msk $0xffff, v2  }
0xd0: {  	[tilespmem:v22+s16+$0x0] =	vst.idx.add.f32.msk $0xffff, v2  }
0xd1: {  	[tilespmem:s14], [sflag:$0x2] =	stream.strided.gather [hbm4b:s7+s10], $0x4000, s11, s10, $0x38;
	[tilespmem:$0x8480] =	vst v63  }
0xd2: {  	_ =	swait.ge [sflag:s15], $0x4000  }
0xd3: {  	[sflag:s15] =	ssyncset.done $0x0  }
0xd4: {  	s21 =	simm.s32 $0x40;
	[sflag:s15] =	ssyncadd.s32 $0xFFFFC000  }
0xd5: {  	v21 =	vld [tilespmem:s21+$0x30]  }
0xd6: {  	v22 =	vld [tilespmem:s21+$0xFFFFFFD0]  }
0xd7: {  	v23 =	vld [tilespmem:s21+$0xFFFFFFE0]  }
0xd8: {  	v24 =	vld [tilespmem:s21+$0xFFFFFFF0]  }
0xd9: {  	v25 =	vld [tilespmem:s21+$0x0]  }
0xda: {  	v26 =	vld [tilespmem:s21+$0x10]  }
0xdb: {  	v27 =	vld [tilespmem:s21+$0xFFFFFFC0]  }
0xdc: {  	s31 =	simm.s32 $0xC0;
	v28 =	vld [tilespmem:s21+$0x20]  }
0xdd: {  	v29 =	vld [tilespmem:s31+$0x30];
	v21 =	vmul.f32 $1.600000000e+01, v21  }
0xde: {  	v32 =	vld [tilespmem:s31+$0xFFFFFFF0];
	v22 =	vmul.f32 $1.600000000e+01, v22;
	v23 =	vmul.f32 $1.600000000e+01, v23  }
0xdf: {  	v24 =	vmul.f32 $1.600000000e+01, v24;
	v25 =	vmul.f32 $1.600000000e+01, v25  }
0xe0: {  	v26 =	vmul.f32 $1.600000000e+01, v26;
	v27 =	vmul.f32 $1.600000000e+01, v27;
	v21 =	vadd.f32 $1.600000000e+01, v21  }
0xe1: {  	v28 =	vmul.f32 $1.600000000e+01, v28;
	v22 =	vadd.f32 $1.600000000e+01, v22;
	v23 =	vadd.f32 $1.600000000e+01, v23  }
0xe2: {  	v29 =	vmul.f32 $1.600000000e+01, v29;
	v24 =	vadd.f32 $1.600000000e+01, v24;
	v25 =	vadd.f32 $1.600000000e+01, v25  }
0xe3: {  	v32 =	vmul.f32 $1.600000000e+01, v32;
	v26 =	vadd.f32 $1.600000000e+01, v26;
	v27 =	vadd.f32 $1.600000000e+01, v27  }
0xe4: {  	v28 =	vadd.f32 $1.600000000e+01, v28;
	v21 =	vmin.f32 v21, $3.150000000e+01;
	v22 =	vmin.f32 v22, $3.150000000e+01  }
0xe5: {  	v23 =	vmin.f32 v23, $3.150000000e+01;
	v24 =	vmin.f32 v24, $3.150000000e+01;
	v21 =	vtrunc.f32 v21  }
0xe6: {  	v27 =	vmin.f32 v27, $3.150000000e+01;
	v22 =	vtrunc.f32 v22;
	v23 =	vtrunc.f32 v23  }
0xe7: {  	v25 =	vmin.f32 v25, $3.150000000e+01;
	v27 =	vtrunc.f32 v27;
	v24 =	vtrunc.f32 v24  }
0xe8: {  	v26 =	vmin.f32 v26, $3.150000000e+01;
	v25 =	vtrunc.f32 v25;
	v21 =	vcvt.f32.s32 v21  }
0xe9: {  	v28 =	vmin.f32 v28, $3.150000000e+01;
	v26 =	vtrunc.f32 v26;
	v25 =	vcvt.f32.s32 v25  }
0xea: {  	v31 =	vld [tilespmem:s31+$0xFFFFFFD0];
	v28 =	vtrunc.f32 v28;
	v27 =	vcvt.f32.s32 v27;
	v21 =	vshll.u32 v21, $0x4  }
0xeb: {  	v35 =	vshll.u32 v25, $0x4;
	v25 =	vld [tilespmem:s31+$0x10];
	v30 =	vor.u32 v0, v21;
	v21 =	vcvt.f32.s32 v22  }
0xec: {  	v29 =	vadd.f32 $1.600000000e+01, v29;
	v24 =	vcvt.f32.s32 v24;
	v22 =	vcvt.f32.s32 v23;
	v23 =	vld [tilespmem:s31+$0xFFFFFFE0]  }
0xed: {  	v33 =	vshll.u32 v21, $0x4;
	v21 =	vcvt.f32.s32 v26;
	v26 =	vcvt.f32.s32 v28;
	v28 =	vld [tilespmem:s31+$0x0]  }
0xee: {  	v27 =	vshll.u32 v27, $0x4;
	v24 =	vshll.u32 v24, $0x4;
	v34 =	vshll.u32 v22, $0x4  }
0xef: {  	v22 =	vshll.u32 v21, $0x4;
	v21 =	vshll.u32 v26, $0x4;
	v26 =	vmul.f32 $1.600000000e+01, v31;
	v31 =	vld [tilespmem:s31+$0x20]  }
0xf0: {  	v36 =	vld [tilespmem:s31+$0xFFFFFFC0];
	v27 =	vor.u32 v0, v27;
	v37 =	vor.u32 v0, v24;
	v33 =	vor.u32 v0, v33  }
0xf1: {  	v34 =	vor.u32 v0, v34;
	v25 =	vmul.f32 $1.600000000e+01, v25;
	v23 =	vmul.f32 $1.600000000e+01, v23  }
0xf2: {  	v26 =	vadd.f32 $1.600000000e+01, v26;
	v24 =	vmul.f32 $1.600000000e+01, v28;
	v28 =	vmin.f32 v29, $3.150000000e+01  }
0xf3: {  	v25 =	vadd.f32 $1.600000000e+01, v25;
	v23 =	vadd.f32 $1.600000000e+01, v23;
	v28 =	vtrunc.f32 v28  }
0xf4: {  	v62 =	vadd.f32 $1.600000000e+01, v24;
	v24 =	vmul.f32 $1.600000000e+01, v31;
	v28 =	vcvt.f32.s32 v28  }
0xf5: {  	v29 =	vadd.f32 $1.600000000e+01, v32;
	v26 =	vmin.f32 v26, $3.150000000e+01;
	v31 =	vmul.f32 $1.600000000e+01, v36  }
0xf6: {  	[tilespmem:v30+s16+$0x0] =	vst.idx.add.f32.msk $0xffff, v2;
	v30 =	vmin.f32 v25, $3.150000000e+01;
	v63 =	vadd.f32 $1.600000000e+01, v24;
	v24 =	vshll.u32 v28, $0x4  }
0xf7: {  	[tilespmem:v27+s16+$0x0] =	vst.idx.add.f32.msk $0xffff, v2;
	v23 =	vmin.f32 v23, $3.150000000e+01;
	v27 =	vadd.f32 $1.600000000e+01, v31;
	v24 =	vor.u32 v0, v24  }
0xf8: {  	[tilespmem:v37+s16+$0x0] =	vst.idx.add.f32.msk $0xffff, v2;
	v38 =	vmin.f32 v29, $3.150000000e+01;
	v26 =	vtrunc.f32 v26;
	v25 =	vtrunc.f32 v23  }
0xf9: {  	[tilespmem:v33+s16+$0x0] =	vst.idx.add.f32.msk $0xffff, v2;
	v23 =	vor.u32 v0, v35;
	v29 =	vmin.f32 v62, $3.150000000e+01;
	v27 =	vmin.f32 v27, $3.150000000e+01  }
0xfa: {  	s22 =	simm.s32 $0x140;
	s21 =	simm.s32 $0x8;
	[tilespmem:v34+s16+$0x0] =	vst.idx.add.f32.msk $0xffff, v2;
	v28 =	vmin.f32 v63, $3.150000000e+01;
	v31 =	vtrunc.f32 v27;
	v27 =	vtrunc.f32 v38  }
.LBB2_6:
0xfb: {  	v32 =	vld [tilespmem:s22+$0x30];
	v29 =	vtrunc.f32 v29;
	v30 =	vtrunc.f32 v30;
	v33 =	vor.u32 v0, v22  }
0xfc: {  	s21 =	sadd.s32 $0x8, s21;
	v22 =	vcvt.f32.s32 v31;
	v28 =	vtrunc.f32 v28;
	[tilespmem:v24+s16+$0x0] =	vst.idx.add.f32.msk $0xffff, v2;
	v24 =	vor.u32 v0, v21  }
0xfd: {  	v25 =	vcvt.f32.s32 v25;
	p0 =	slt.u32 s21, $0x3F8;
	v21 =	vcvt.f32.s32 v26;
	v31 =	vld [tilespmem:s22+$0xFFFFFFD0]  }
0xfe: {  	v34 =	vshll.u32 v22, $0x4;
	v22 =	vcvt.f32.s32 v27;
	v27 =	vcvt.f32.s32 v29;
	v26 =	vld [tilespmem:s22+$0xFFFFFFE0]  }
0xff: {  	v28 =	vcvt.f32.s32 v28;
	v35 =	vshll.u32 v21, $0x4;
	v21 =	vcvt.f32.s32 v30;
	v29 =	vld [tilespmem:s22+$0xFFFFFFF0]  }
0x100: {  	v25 =	vshll.u32 v25, $0x4;
	v36 =	vshll.u32 v22, $0x4;
	v37 =	vshll.u32 v27, $0x4;
	v30 =	vld [tilespmem:s22+$0x0]  }
0x101: {  	v32 =	vmul.f32 $1.600000000e+01, v32;
	v22 =	vshll.u32 v21, $0x4;
	v21 =	vshll.u32 v28, $0x4;
	v27 =	vld [tilespmem:s22+$0x10]  }
0x102: {  	v34 =	vor.u32 v0, v34;
	v35 =	vor.u32 v0, v35;
	v28 =	vmul.f32 $1.600000000e+01, v31;
	v31 =	vld [tilespmem:s22+$0x20]  }
0x103: {  	v25 =	vor.u32 v0, v25;
	v32 =	vadd.f32 $1.600000000e+01, v32;
	v38 =	vld [tilespmem:s22+$0xFFFFFFC0];
	v26 =	vmul.f32 $1.600000000e+01, v26  }
0x104: {  	v36 =	vor.u32 v0, v36;
	v28 =	vadd.f32 $1.600000000e+01, v28;
	v29 =	vmul.f32 $1.600000000e+01, v29;
	[tilespmem:v23+s16+$0x0] =	vst.idx.add.f32.msk $0xffff, v2  }
0x105: {  	v23 =	vadd.f32 $1.600000000e+01, v26;
	v26 =	vmul.f32 $1.600000000e+01, v30;
	v30 =	vmin.f32 v32, $3.150000000e+01;
	[tilespmem:v33+s16+$0x0] =	vst.idx.add.f32.msk $0xffff, v2  }
0x106: {  	v29 =	vadd.f32 $1.600000000e+01, v29;
	v27 =	vmul.f32 $1.600000000e+01, v27;
	v30 =	vtrunc.f32 v30;
	[tilespmem:v24+s16+$0x0] =	vst.idx.add.f32.msk $0xffff, v2  }
0x107: {  	v26 =	vadd.f32 $1.600000000e+01, v26;
	v24 =	vmul.f32 $1.600000000e+01, v31;
	v30 =	vcvt.f32.s32 v30;
	[tilespmem:v34+s16+$0x0] =	vst.idx.add.f32.msk $0xffff, v2  }
0x108: {  	v32 =	vmin.f32 v28, $3.150000000e+01;
	v31 =	vmul.f32 $1.600000000e+01, v38;
	v27 =	vadd.f32 $1.600000000e+01, v27;
	[tilespmem:v35+s16+$0x0] =	vst.idx.add.f32.msk $0xffff, v2  }
.Ltmp2:
0x109: {  	v23 =	vmin.f32 v23, $3.150000000e+01;
	v28 =	vadd.f32 $1.600000000e+01, v24;
	v24 =	vshll.u32 v30, $0x4;
	[tilespmem:v25+s16+$0x0] =	vst.idx.add.f32.msk $0xffff, v2;
	(pc) =	sbr.rel @p0 .LBB2_6-.Ltmp2, $4  }
0x10a: {  	v33 =	vmin.f32 v29, $3.150000000e+01;
	v25 =	vadd.f32 $1.600000000e+01, v31;
	v24 =	vor.u32 v0, v24;
	[tilespmem:v36+s16+$0x0] =	vst.idx.add.f32.msk $0xffff, v2  }
0x10b: {  	v29 =	vmin.f32 v26, $3.150000000e+01;
	v30 =	vmin.f32 v27, $3.150000000e+01;
	v28 =	vmin.f32 v28, $3.150000000e+01  }
0x10c: {  	v26 =	vtrunc.f32 v32;
	v27 =	vmin.f32 v25, $3.150000000e+01;
	v25 =	vtrunc.f32 v23  }
0x10d: {  	s22 =	sadd.s32 $0x80, s22;
	v23 =	vor.u32 v0, v37;
	v31 =	vtrunc.f32 v27;
	v27 =	vtrunc.f32 v33  }
0x10e: {  	v29 =	vtrunc.f32 v29  }
0x10f: {  	v30 =	vtrunc.f32 v30;
	v31 =	vcvt.f32.s32 v31  }
0x110: {  	v22 =	vor.u32 v0, v22;
	v28 =	vtrunc.f32 v28;
	v26 =	vcvt.f32.s32 v26  }
0x111: {  	v21 =	vor.u32 v0, v21;
	v25 =	vcvt.f32.s32 v25;
	v31 =	vshll.u32 v31, $0x4  }
0x112: {  	v27 =	vcvt.f32.s32 v27;
	v26 =	vshll.u32 v26, $0x4;
	v31 =	vor.u32 v0, v31  }
0x113: {  	[tilespmem:v23+s16+$0x0] =	vst.idx.add.f32.msk $0xffff, v2;
	v23 =	vcvt.f32.s32 v28;
	v25 =	vshll.u32 v25, $0x4;
	v26 =	vor.u32 v0, v26  }
0x114: {  	[tilespmem:v24+s16+$0x0] =	vst.idx.add.f32.msk $0xffff, v2;
	v24 =	vcvt.f32.s32 v29;
	v27 =	vshll.u32 v27, $0x4;
	v25 =	vor.u32 v0, v25  }
0x115: {  	v29 =	vcvt.f32.s32 v30;
	v27 =	vor.u32 v0, v27;
	v23 =	vshll.u32 v23, $0x4;
	[tilespmem:v22+s16+$0x0] =	vst.idx.add.f32.msk $0xffff, v2  }
0x116: {  	v24 =	vshll.u32 v24, $0x4;
	v23 =	vor.u32 v0, v23;
	[tilespmem:v21+s16+$0x0] =	vst.idx.add.f32.msk $0xffff, v2  }
0x117: {  	v22 =	vshll.u32 v29, $0x4;
	v21 =	vor.u32 v0, v24;
	[tilespmem:v31+s16+$0x0] =	vst.idx.add.f32.msk $0xffff, v2  }
0x118: {  	v22 =	vor.u32 v0, v22;
	[tilespmem:v26+s16+$0x0] =	vst.idx.add.f32.msk $0xffff, v2  }
0x119: {  	[tilespmem:v25+s16+$0x0] =	vst.idx.add.f32.msk $0xffff, v2  }
0x11a: {  	[tilespmem:v27+s16+$0x0] =	vst.idx.add.f32.msk $0xffff, v2  }
0x11b: {  	[tilespmem:v23+s16+$0x0] =	vst.idx.add.f32.msk $0xffff, v2  }
0x11c: {  	[tilespmem:v21+s16+$0x0] =	vst.idx.add.f32.msk $0xffff, v2  }
0x11d: {  	[tilespmem:v22+s16+$0x0] =	vst.idx.add.f32.msk $0xffff, v2  }
0x11e: {  	_ =	swait.ge [sflag:s17], $0x4000  }
0x11f: {  	[sflag:s17] =	ssyncset.done $0x0  }
0x120: {  	s21 =	simm.s32 $0x4040;
	[sflag:s17] =	ssyncadd.s32 $0xFFFFC000  }
0x121: {  	v21 =	vld [tilespmem:s21+$0x30]  }
0x122: {  	v22 =	vld [tilespmem:s21+$0xFFFFFFD0]  }
0x123: {  	v23 =	vld [tilespmem:s21+$0xFFFFFFE0]  }
0x124: {  	v24 =	vld [tilespmem:s21+$0xFFFFFFF0]  }
0x125: {  	v25 =	vld [tilespmem:s21+$0x0]  }
0x126: {  	v26 =	vld [tilespmem:s21+$0x10]  }
0x127: {  	v27 =	vld [tilespmem:s21+$0xFFFFFFC0]  }
0x128: {  	s31 =	simm.s32 $0x40C0;
	v28 =	vld [tilespmem:s21+$0x20]  }
0x129: {  	v29 =	vld [tilespmem:s31+$0x30];
	v21 =	vmul.f32 $1.600000000e+01, v21  }
0x12a: {  	v32 =	vld [tilespmem:s31+$0xFFFFFFF0];
	v22 =	vmul.f32 $1.600000000e+01, v22;
	v23 =	vmul.f32 $1.600000000e+01, v23  }
0x12b: {  	v24 =	vmul.f32 $1.600000000e+01, v24;
	v25 =	vmul.f32 $1.600000000e+01, v25  }
0x12c: {  	v26 =	vmul.f32 $1.600000000e+01, v26;
	v27 =	vmul.f32 $1.600000000e+01, v27;
	v21 =	vadd.f32 $1.600000000e+01, v21  }
0x12d: {  	v28 =	vmul.f32 $1.600000000e+01, v28;
	v22 =	vadd.f32 $1.600000000e+01, v22;
	v23 =	vadd.f32 $1.600000000e+01, v23  }
0x12e: {  	v29 =	vmul.f32 $1.600000000e+01, v29;
	v24 =	vadd.f32 $1.600000000e+01, v24;
	v25 =	vadd.f32 $1.600000000e+01, v25  }
0x12f: {  	v32 =	vmul.f32 $1.600000000e+01, v32;
	v26 =	vadd.f32 $1.600000000e+01, v26;
	v27 =	vadd.f32 $1.600000000e+01, v27  }
0x130: {  	v28 =	vadd.f32 $1.600000000e+01, v28;
	v21 =	vmin.f32 v21, $3.150000000e+01;
	v22 =	vmin.f32 v22, $3.150000000e+01  }
0x131: {  	v23 =	vmin.f32 v23, $3.150000000e+01;
	v24 =	vmin.f32 v24, $3.150000000e+01;
	v21 =	vtrunc.f32 v21  }
0x132: {  	v27 =	vmin.f32 v27, $3.150000000e+01;
	v22 =	vtrunc.f32 v22;
	v23 =	vtrunc.f32 v23  }
0x133: {  	v25 =	vmin.f32 v25, $3.150000000e+01;
	v27 =	vtrunc.f32 v27;
	v24 =	vtrunc.f32 v24  }
0x134: {  	v26 =	vmin.f32 v26, $3.150000000e+01;
	v25 =	vtrunc.f32 v25;
	v21 =	vcvt.f32.s32 v21  }
0x135: {  	v28 =	vmin.f32 v28, $3.150000000e+01;
	v26 =	vtrunc.f32 v26;
	v25 =	vcvt.f32.s32 v25  }
0x136: {  	v31 =	vld [tilespmem:s31+$0xFFFFFFD0];
	v28 =	vtrunc.f32 v28;
	v27 =	vcvt.f32.s32 v27;
	v21 =	vshll.u32 v21, $0x4  }
0x137: {  	v35 =	vshll.u32 v25, $0x4;
	v25 =	vld [tilespmem:s31+$0x10];
	v30 =	vor.u32 v0, v21;
	v21 =	vcvt.f32.s32 v22  }
0x138: {  	v29 =	vadd.f32 $1.600000000e+01, v29;
	v24 =	vcvt.f32.s32 v24;
	v22 =	vcvt.f32.s32 v23;
	v23 =	vld [tilespmem:s31+$0xFFFFFFE0]  }
0x139: {  	v33 =	vshll.u32 v21, $0x4;
	v21 =	vcvt.f32.s32 v26;
	v26 =	vcvt.f32.s32 v28;
	v28 =	vld [tilespmem:s31+$0x0]  }
0x13a: {  	v27 =	vshll.u32 v27, $0x4;
	v24 =	vshll.u32 v24, $0x4;
	v34 =	vshll.u32 v22, $0x4  }
0x13b: {  	v22 =	vshll.u32 v21, $0x4;
	v21 =	vshll.u32 v26, $0x4;
	v26 =	vmul.f32 $1.600000000e+01, v31;
	v31 =	vld [tilespmem:s31+$0x20]  }
0x13c: {  	v36 =	vld [tilespmem:s31+$0xFFFFFFC0];
	v27 =	vor.u32 v0, v27;
	v37 =	vor.u32 v0, v24;
	v33 =	vor.u32 v0, v33  }
0x13d: {  	v34 =	vor.u32 v0, v34;
	v25 =	vmul.f32 $1.600000000e+01, v25;
	v23 =	vmul.f32 $1.600000000e+01, v23  }
0x13e: {  	v26 =	vadd.f32 $1.600000000e+01, v26;
	v24 =	vmul.f32 $1.600000000e+01, v28;
	v28 =	vmin.f32 v29, $3.150000000e+01  }
0x13f: {  	v25 =	vadd.f32 $1.600000000e+01, v25;
	v23 =	vadd.f32 $1.600000000e+01, v23;
	v28 =	vtrunc.f32 v28  }
0x140: {  	v62 =	vadd.f32 $1.600000000e+01, v24;
	v24 =	vmul.f32 $1.600000000e+01, v31;
	v28 =	vcvt.f32.s32 v28  }
0x141: {  	v29 =	vadd.f32 $1.600000000e+01, v32;
	v26 =	vmin.f32 v26, $3.150000000e+01;
	v31 =	vmul.f32 $1.600000000e+01, v36  }
0x142: {  	[tilespmem:v30+s16+$0x0] =	vst.idx.add.f32.msk $0xffff, v2;
	v30 =	vmin.f32 v25, $3.150000000e+01;
	v63 =	vadd.f32 $1.600000000e+01, v24;
	v24 =	vshll.u32 v28, $0x4  }
0x143: {  	[tilespmem:v27+s16+$0x0] =	vst.idx.add.f32.msk $0xffff, v2;
	v23 =	vmin.f32 v23, $3.150000000e+01;
	v27 =	vadd.f32 $1.600000000e+01, v31;
	v24 =	vor.u32 v0, v24  }
0x144: {  	[tilespmem:v37+s16+$0x0] =	vst.idx.add.f32.msk $0xffff, v2;
	v38 =	vmin.f32 v29, $3.150000000e+01;
	v26 =	vtrunc.f32 v26;
	v25 =	vtrunc.f32 v23  }
0x145: {  	[tilespmem:v33+s16+$0x0] =	vst.idx.add.f32.msk $0xffff, v2;
	v23 =	vor.u32 v0, v35;
	v29 =	vmin.f32 v62, $3.150000000e+01;
	v27 =	vmin.f32 v27, $3.150000000e+01  }
0x146: {  	s22 =	simm.s32 $0x4140;
	s21 =	simm.s32 $0x8;
	[tilespmem:v34+s16+$0x0] =	vst.idx.add.f32.msk $0xffff, v2;
	v28 =	vmin.f32 v63, $3.150000000e+01;
	v31 =	vtrunc.f32 v27;
	v27 =	vtrunc.f32 v38  }
.LBB2_8:
0x147: {  	v32 =	vld [tilespmem:s22+$0x30];
	v29 =	vtrunc.f32 v29;
	v30 =	vtrunc.f32 v30;
	v33 =	vor.u32 v0, v22  }
0x148: {  	s21 =	sadd.s32 $0x8, s21;
	v22 =	vcvt.f32.s32 v31;
	v28 =	vtrunc.f32 v28;
	[tilespmem:v24+s16+$0x0] =	vst.idx.add.f32.msk $0xffff, v2;
	v24 =	vor.u32 v0, v21  }
0x149: {  	v25 =	vcvt.f32.s32 v25;
	p0 =	slt.u32 s21, $0x3F8;
	v21 =	vcvt.f32.s32 v26;
	v31 =	vld [tilespmem:s22+$0xFFFFFFD0]  }
0x14a: {  	v34 =	vshll.u32 v22, $0x4;
	v22 =	vcvt.f32.s32 v27;
	v27 =	vcvt.f32.s32 v29;
	v26 =	vld [tilespmem:s22+$0xFFFFFFE0]  }
0x14b: {  	v28 =	vcvt.f32.s32 v28;
	v35 =	vshll.u32 v21, $0x4;
	v21 =	vcvt.f32.s32 v30;
	v29 =	vld [tilespmem:s22+$0xFFFFFFF0]  }
0x14c: {  	v25 =	vshll.u32 v25, $0x4;
	v36 =	vshll.u32 v22, $0x4;
	v37 =	vshll.u32 v27, $0x4;
	v30 =	vld [tilespmem:s22+$0x0]  }
0x14d: {  	v32 =	vmul.f32 $1.600000000e+01, v32;
	v22 =	vshll.u32 v21, $0x4;
	v21 =	vshll.u32 v28, $0x4;
	v27 =	vld [tilespmem:s22+$0x10]  }
0x14e: {  	v34 =	vor.u32 v0, v34;
	v35 =	vor.u32 v0, v35;
	v28 =	vmul.f32 $1.600000000e+01, v31;
	v31 =	vld [tilespmem:s22+$0x20]  }
0x14f: {  	v25 =	vor.u32 v0, v25;
	v32 =	vadd.f32 $1.600000000e+01, v32;
	v38 =	vld [tilespmem:s22+$0xFFFFFFC0];
	v26 =	vmul.f32 $1.600000000e+01, v26  }
0x150: {  	v36 =	vor.u32 v0, v36;
	v28 =	vadd.f32 $1.600000000e+01, v28;
	v29 =	vmul.f32 $1.600000000e+01, v29;
	[tilespmem:v23+s16+$0x0] =	vst.idx.add.f32.msk $0xffff, v2  }
0x151: {  	v23 =	vadd.f32 $1.600000000e+01, v26;
	v26 =	vmul.f32 $1.600000000e+01, v30;
	v30 =	vmin.f32 v32, $3.150000000e+01;
	[tilespmem:v33+s16+$0x0] =	vst.idx.add.f32.msk $0xffff, v2  }
0x152: {  	v29 =	vadd.f32 $1.600000000e+01, v29;
	v27 =	vmul.f32 $1.600000000e+01, v27;
	v30 =	vtrunc.f32 v30;
	[tilespmem:v24+s16+$0x0] =	vst.idx.add.f32.msk $0xffff, v2  }
0x153: {  	v26 =	vadd.f32 $1.600000000e+01, v26;
	v24 =	vmul.f32 $1.600000000e+01, v31;
	v30 =	vcvt.f32.s32 v30;
	[tilespmem:v34+s16+$0x0] =	vst.idx.add.f32.msk $0xffff, v2  }
0x154: {  	v32 =	vmin.f32 v28, $3.150000000e+01;
	v31 =	vmul.f32 $1.600000000e+01, v38;
	v27 =	vadd.f32 $1.600000000e+01, v27;
	[tilespmem:v35+s16+$0x0] =	vst.idx.add.f32.msk $0xffff, v2  }
.Ltmp3:
0x155: {  	v23 =	vmin.f32 v23, $3.150000000e+01;
	v28 =	vadd.f32 $1.600000000e+01, v24;
	v24 =	vshll.u32 v30, $0x4;
	[tilespmem:v25+s16+$0x0] =	vst.idx.add.f32.msk $0xffff, v2;
	(pc) =	sbr.rel @p0 .LBB2_8-.Ltmp3, $4  }
0x156: {  	v33 =	vmin.f32 v29, $3.150000000e+01;
	v25 =	vadd.f32 $1.600000000e+01, v31;
	v24 =	vor.u32 v0, v24;
	[tilespmem:v36+s16+$0x0] =	vst.idx.add.f32.msk $0xffff, v2  }
0x157: {  	v29 =	vmin.f32 v26, $3.150000000e+01;
	v30 =	vmin.f32 v27, $3.150000000e+01;
	v28 =	vmin.f32 v28, $3.150000000e+01  }
0x158: {  	v26 =	vtrunc.f32 v32;
	v27 =	vmin.f32 v25, $3.150000000e+01;
	v25 =	vtrunc.f32 v23  }
0x159: {  	s22 =	sadd.s32 $0x80, s22;
	v23 =	vor.u32 v0, v37;
	v31 =	vtrunc.f32 v27;
	v27 =	vtrunc.f32 v33  }
0x15a: {  	v29 =	vtrunc.f32 v29  }
0x15b: {  	v30 =	vtrunc.f32 v30;
	v31 =	vcvt.f32.s32 v31  }
0x15c: {  	v22 =	vor.u32 v0, v22;
	v28 =	vtrunc.f32 v28;
	v26 =	vcvt.f32.s32 v26  }
0x15d: {  	v21 =	vor.u32 v0, v21;
	v25 =	vcvt.f32.s32 v25;
	v31 =	vshll.u32 v31, $0x4  }
0x15e: {  	v27 =	vcvt.f32.s32 v27;
	v26 =	vshll.u32 v26, $0x4;
	v31 =	vor.u32 v0, v31  }
0x15f: {  	[tilespmem:v23+s16+$0x0] =	vst.idx.add.f32.msk $0xffff, v2;
	v23 =	vcvt.f32.s32 v28;
	v25 =	vshll.u32 v25, $0x4;
	v26 =	vor.u32 v0, v26  }
0x160: {  	[tilespmem:v24+s16+$0x0] =	vst.idx.add.f32.msk $0xffff, v2;
	v62 =	vcvt.f32.s32 v29;
	v27 =	vshll.u32 v27, $0x4;
	v25 =	vor.u32 v0, v25  }
0x161: {  	v63 =	vcvt.f32.s32 v30;
	v27 =	vor.u32 v0, v27;
	v23 =	vshll.u32 v23, $0x4;
	[tilespmem:v22+s16+$0x0] =	vst.idx.add.f32.msk $0xffff, v2  }
0x162: {  	v24 =	vshll.u32 v62, $0x4;
	v23 =	vor.u32 v0, v23;
	[tilespmem:v21+s16+$0x0] =	vst.idx.add.f32.msk $0xffff, v2  }
0x163: {  	v22 =	vshll.u32 v63, $0x4;
	v21 =	vor.u32 v0, v24;
	[tilespmem:v31+s16+$0x0] =	vst.idx.add.f32.msk $0xffff, v2  }
0x164: {  	v22 =	vor.u32 v0, v22;
	[tilespmem:v26+s16+$0x0] =	vst.idx.add.f32.msk $0xffff, v2  }
0x165: {  	[tilespmem:v25+s16+$0x0] =	vst.idx.add.f32.msk $0xffff, v2  }
0x166: {  	[tilespmem:v27+s16+$0x0] =	vst.idx.add.f32.msk $0xffff, v2  }
0x167: {  	[tilespmem:v23+s16+$0x0] =	vst.idx.add.f32.msk $0xffff, v2  }
0x168: {  	[tilespmem:v21+s16+$0x0] =	vst.idx.add.f32.msk $0xffff, v2  }
0x169: {  	[tilespmem:v22+s16+$0x0] =	vst.idx.add.f32.msk $0xffff, v2  }
0x16a: {  	v21 =	vld [tilespmem:$0x8000]  }
0x16b: {  	v22 =	vld [tilespmem:$0x8010]  }
0x16c: {  	v23 =	vld [tilespmem:$0x8020]  }
0x16d: {  	v32 =	vld [tilespmem:$0x8030]  }
0x16e: {  	v25 =	vld [tilespmem:$0x8040]  }
0x16f: {  	(xrf2) =	vadd.scan.msk.f32 $0xffff, v21;
	v21 =	vld [tilespmem:$0x8050]  }
0x170: {  	(xrf2) =	vadd.scan.msk.f32 $0xffff, v22;
	v22 =	vld [tilespmem:$0x8060]  }
0x171: {  	(xrf2) =	vadd.scan.msk.f32 $0xffff, v23;
	v23 =	vld [tilespmem:$0x8070]  }
0x172: {  	v33 =	vld [tilespmem:$0x8080];
	(xrf2) =	vadd.scan.msk.f32 $0xffff, v32  }
0x173: {  	v34 =	vld [tilespmem:$0x8090];
	(xrf2) =	vadd.scan.msk.f32 $0xffff, v25  }
0x174: {  	(xrf2) =	vadd.scan.msk.f32 $0xffff, v21;
	v21 =	vld [tilespmem:$0x80A0]  }
0x175: {  	(xrf2) =	vadd.scan.msk.f32 $0xffff, v22;
	v22 =	vld [tilespmem:$0x80B0]  }
0x176: {  	(xrf2) =	vadd.scan.msk.f32 $0xffff, v23;
	v23 =	vld [tilespmem:$0x80C0]  }
0x177: {  	v35 =	vld [tilespmem:$0x80D0];
	(xrf2) =	vadd.scan.msk.f32 $0xffff, v33  }
0x178: {  	v36 =	vld [tilespmem:$0x80E0];
	(xrf2) =	vadd.scan.msk.f32 $0xffff, v34  }
0x179: {  	v37, _, _ =	vpop (xrf2);
	(xrf2) =	vadd.scan.msk.f32 $0xffff, v21;
	v21 =	vld [tilespmem:$0x80F0]  }
0x17a: {  	[tilespmem:$0x8000] =	vst v37;
	v38, _, _ =	vpop (xrf2);
	(xrf2) =	vadd.scan.msk.f32 $0xffff, v22;
	v22 =	vld [tilespmem:$0x8100]  }
0x17b: {  	[tilespmem:$0x8010] =	vst v38;
	v39, _, _ =	vpop (xrf2);
	(xrf2) =	vadd.scan.msk.f32 $0xffff, v23;
	v23 =	vld [tilespmem:$0x8110]  }
0x17c: {  	v41 =	vld [tilespmem:$0x8120];
	[tilespmem:$0x8020] =	vst v39;
	v40, _, _ =	vpop (xrf2);
	(xrf2) =	vadd.scan.msk.f32 $0xffff, v35  }
0x17d: {  	v43 =	vld [tilespmem:$0x8130];
	[tilespmem:$0x8030] =	vst v40;
	v42, _, _ =	vpop (xrf2);
	(xrf2) =	vadd.scan.msk.f32 $0xffff, v36  }
0x17e: {  	[tilespmem:$0x8040] =	vst v42;
	v44, _, _ =	vpop (xrf2);
	(xrf2) =	vadd.scan.msk.f32 $0xffff, v21;
	v21 =	vld [tilespmem:$0x8140]  }
0x17f: {  	[tilespmem:$0x8050] =	vst v44;
	v45, _, _ =	vpop (xrf2);
	(xrf2) =	vadd.scan.msk.f32 $0xffff, v22;
	v22 =	vld [tilespmem:$0x8150]  }
0x180: {  	[tilespmem:$0x8060] =	vst v45;
	v46, _, _ =	vpop (xrf2);
	(xrf2) =	vadd.scan.msk.f32 $0xffff, v23;
	v23 =	vld [tilespmem:$0x8160]  }
0x181: {  	v48 =	vld [tilespmem:$0x8170];
	[tilespmem:$0x8070] =	vst v46;
	v47, _, _ =	vpop (xrf2);
	(xrf2) =	vadd.scan.msk.f32 $0xffff, v41  }
0x182: {  	v50 =	vld [tilespmem:$0x8180];
	[tilespmem:$0x8080] =	vst v47;
	v49, _, _ =	vpop (xrf2);
	(xrf2) =	vadd.scan.msk.f32 $0xffff, v43  }
0x183: {  	[tilespmem:$0x8090] =	vst v49;
	v51, _, _ =	vpop (xrf2);
	(xrf2) =	vadd.scan.msk.f32 $0xffff, v21;
	v21 =	vld [tilespmem:$0x8190]  }
0x184: {  	[tilespmem:$0x80A0] =	vst v51;
	v52, _, _ =	vpop (xrf2);
	(xrf2) =	vadd.scan.msk.f32 $0xffff, v22;
	v22 =	vld [tilespmem:$0x81A0]  }
0x185: {  	[tilespmem:$0x80B0] =	vst v52;
	v53, _, _ =	vpop (xrf2);
	(xrf2) =	vadd.scan.msk.f32 $0xffff, v23;
	v23 =	vld [tilespmem:$0x81B0]  }
0x186: {  	v55 =	vld [tilespmem:$0x81C0];
	[tilespmem:$0x80C0] =	vst v53;
	v54, _, _ =	vpop (xrf2);
	(xrf2) =	vadd.scan.msk.f32 $0xffff, v48  }
0x187: {  	v57 =	vld [tilespmem:$0x81D0];
	[tilespmem:$0x80D0] =	vst v54;
	v56, _, _ =	vpop (xrf2);
	(xrf2) =	vadd.scan.msk.f32 $0xffff, v50  }
0x188: {  	[tilespmem:$0x80E0] =	vst v56;
	v58, _, _ =	vpop (xrf2);
	(xrf2) =	vadd.scan.msk.f32 $0xffff, v21;
	v21 =	vld [tilespmem:$0x81E0]  }
0x189: {  	[tilespmem:$0x80F0] =	vst v58;
	v59, _, _ =	vpop (xrf2);
	(xrf2) =	vadd.scan.msk.f32 $0xffff, v22;
	v22 =	vld [tilespmem:$0x81F0]  }
0x18a: {  	[tilespmem:$0x8100] =	vst v59;
	v60, _, _ =	vpop (xrf2);
	(xrf2) =	vadd.scan.msk.f32 $0xffff, v23  }
0x18b: {  	[tilespmem:$0x8110] =	vst v60;
	v23, _, _ =	vpop (xrf2);
	(xrf2) =	vadd.scan.msk.f32 $0xffff, v55  }
0x18c: {  	[tilespmem:$0x8120] =	vst v23;
	v23, _, _ =	vpop (xrf2);
	(xrf2) =	vadd.scan.msk.f32 $0xffff, v57  }
0x18d: {  	[tilespmem:$0x8130] =	vst v23;
	v23, _, _ =	vpop (xrf2);
	(xrf2) =	vadd.scan.msk.f32 $0xffff, v21  }
0x18e: {  	[tilespmem:$0x8140] =	vst v23;
	v21, _, _ =	vpop (xrf2);
	(xrf2) =	vadd.scan.msk.f32 $0xffff, v22  }
0x18f: {  	v22, _, _ =	vpop (xrf2);
	[tilespmem:$0x8150] =	vst v21  }
0x190: {  	v21, _, _ =	vpop (xrf2);
	[tilespmem:$0x8160] =	vst v22  }
0x191: {  	v22, _, _ =	vpop (xrf2);
	[tilespmem:$0x8170] =	vst v21  }
0x192: {  	v21, _, _ =	vpop (xrf2);
	[tilespmem:$0x8180] =	vst v22  }
0x193: {  	v22, _, _ =	vpop (xrf2);
	[tilespmem:$0x8190] =	vst v21  }
0x194: {  	v21, _, _ =	vpop (xrf2);
	[tilespmem:$0x81A0] =	vst v22  }
0x195: {  	v22, _, _ =	vpop (xrf2);
	[tilespmem:$0x81B0] =	vst v21  }
0x196: {  	v21, _, _ =	vpop (xrf2);
	[tilespmem:$0x81C0] =	vst v22  }
0x197: {  	v22, _, _ =	vpop (xrf2);
	[tilespmem:$0x81D0] =	vst v21  }
0x198: {  	[tilespmem:$0x81E0] =	vst v22;
	v21, _, _ =	vpop (xrf2)  }
0x199: {  	[tilespmem:$0x81F0] =	vst v21  }
0x19a: {  	v21 =	vld.idx.msk [tilespmem:v3+s16+$0x0], $0xffff  }
0x19b: {  	v22 =	vld.idx.msk [tilespmem:v4+s16+$0x0], $0xffff;
	_ =	sdelay $0x3  }
0x19c: {  	v21 =	vadd.f32 $1.000000000e+00, v21  }
0x19d: {  	v22 =	vadd.f32 $1.000000000e+00, v22  }
0x19e: {  	v23 =	vand.u32 $0x7FFFFF, v21  }
0x19f: {  	v61 =	vand.u32 $0x7FFFFF, v22;
	v23 =	vor.u32 $0x3F800000, v23  }
0x1a0: {  	v24 =	vor.u32 $0x3F800000, v61;
	v62 =	vmul.f32 $1.459875050e-02, v23  }
0x1a1: {  	v63 =	vmul.f32 $1.459875050e-02, v24  }
0x1a2: {  	v25 =	vadd.f32 $-1.781128640e-01, v62  }
0x1a3: {  	v26 =	vadd.f32 $-1.781128640e-01, v63  }
0x1a4: {  	v25 =	vmul.f32 v23, v25  }
0x1a5: {  	v26 =	vmul.f32 v24, v26  }
0x1a6: {  	v25 =	vadd.f32 $9.507575030e-01, v25  }
0x1a7: {  	v26 =	vadd.f32 $9.507575030e-01, v26  }
0x1a8: {  	v25 =	vmul.f32 v23, v25  }
0x1a9: {  	v26 =	vmul.f32 v24, v26  }
0x1aa: {  	v25 =	vadd.f32 $-2.914535520e+00, v25  }
0x1ab: {  	v26 =	vadd.f32 $-2.914535520e+00, v26  }
0x1ac: {  	v25 =	vmul.f32 v23, v25  }
0x1ad: {  	v26 =	vmul.f32 v24, v26  }
0x1ae: {  	v25 =	vadd.f32 $5.673590660e+00, v25  }
0x1af: {  	v26 =	vadd.f32 $5.673590660e+00, v26  }
0x1b0: {  	v25 =	vmul.f32 v23, v25  }
0x1b1: {  	v26 =	vmul.f32 v24, v26  }
0x1b2: {  	v25 =	vadd.f32 $-7.396217340e+00, v25  }
0x1b3: {  	v26 =	vadd.f32 $-7.396217340e+00, v26  }
0x1b4: {  	v25 =	vmul.f32 v23, v25  }
0x1b5: {  	v26 =	vmul.f32 v24, v26  }
0x1b6: {  	v25 =	vadd.f32 $7.085136890e+00, v25  }
0x1b7: {  	v26 =	vadd.f32 $7.085136890e+00, v26  }
0x1b8: {  	v21 =	vshrl.u32 v21, $0x17;
	v23 =	vmul.f32 v23, v25  }
0x1b9: {  	v22 =	vshrl.u32 v22, $0x17;
	v21 =	vadd.s32 $0xFFFFFF81, v21;
	v24 =	vmul.f32 v24, v26  }
0x1ba: {  	v22 =	vadd.s32 $0xFFFFFF81, v22;
	v21 =	vcvt.s32.f32 v21;
	v23 =	vadd.f32 $-3.235217330e+00, v23  }
0x1bb: {  	v22 =	vcvt.s32.f32 v22;
	v24 =	vadd.f32 $-3.235217330e+00, v24  }
0x1bc: {  	v21 =	vadd.f32 v21, v23  }
0x1bd: {  	v22 =	vadd.f32 v22, v24  }
0x1be: {  	[tilespmem:$0x8300] =	vst v21  }
0x1bf: {  	[tilespmem:$0x8310] =	vst v22;
	v22 =	vld [tilespmem:$0x8200]  }
0x1c0: {  	v21 =	vld.idx.msk [tilespmem:v5+s18+$0x0], $0xffff;
	_ =	sdelay $0x4  }
0x1c1: {  	v21 =	vmul.f32 v22, v21;
	_ =	sdelay $0x1  }
0x1c2: {  	v22 =	vld [tilespmem:$0x8210];
	[tilespmem:$0x8380] =	vst v21  }
0x1c3: {  	v21 =	vld.idx.msk [tilespmem:v6+s18+$0x0], $0xffff;
	_ =	sdelay $0x4  }
0x1c4: {  	v21 =	vmul.f32 v22, v21;
	_ =	sdelay $0x1  }
0x1c5: {  	v22 =	vld [tilespmem:$0x8220];
	[tilespmem:$0x8390] =	vst v21  }
0x1c6: {  	v21 =	vld.idx.msk [tilespmem:v7+s18+$0x0], $0xffff;
	_ =	sdelay $0x4  }
0x1c7: {  	v21 =	vmul.f32 v22, v21;
	_ =	sdelay $0x1  }
0x1c8: {  	v22 =	vld [tilespmem:$0x8230];
	[tilespmem:$0x83A0] =	vst v21  }
0x1c9: {  	v21 =	vld.idx.msk [tilespmem:v8+s18+$0x0], $0xffff;
	_ =	sdelay $0x4  }
0x1ca: {  	v21 =	vmul.f32 v22, v21;
	_ =	sdelay $0x1  }
0x1cb: {  	v22 =	vld [tilespmem:$0x8240];
	[tilespmem:$0x83B0] =	vst v21  }
0x1cc: {  	v21 =	vld.idx.msk [tilespmem:v9+s18+$0x0], $0xffff;
	_ =	sdelay $0x4  }
0x1cd: {  	v21 =	vmul.f32 v22, v21;
	_ =	sdelay $0x1  }
0x1ce: {  	v22 =	vld [tilespmem:$0x8250];
	[tilespmem:$0x83C0] =	vst v21  }
0x1cf: {  	v21 =	vld.idx.msk [tilespmem:v10+s18+$0x0], $0xffff;
	_ =	sdelay $0x4  }
0x1d0: {  	v21 =	vmul.f32 v22, v21;
	_ =	sdelay $0x1  }
0x1d1: {  	v22 =	vld [tilespmem:$0x8260];
	[tilespmem:$0x83D0] =	vst v21  }
0x1d2: {  	v21 =	vld.idx.msk [tilespmem:v11+s18+$0x0], $0xffff;
	_ =	sdelay $0x4  }
0x1d3: {  	v21 =	vmul.f32 v22, v21;
	_ =	sdelay $0x1  }
0x1d4: {  	v22 =	vld [tilespmem:$0x8270];
	[tilespmem:$0x83E0] =	vst v21  }
0x1d5: {  	v21 =	vld.idx.msk [tilespmem:v12+s18+$0x0], $0xffff;
	_ =	sdelay $0x4  }
0x1d6: {  	v21 =	vmul.f32 v22, v21;
	_ =	sdelay $0x1  }
0x1d7: {  	v22 =	vld [tilespmem:$0x8280];
	[tilespmem:$0x83F0] =	vst v21  }
0x1d8: {  	v21 =	vld.idx.msk [tilespmem:v13+s18+$0x0], $0xffff;
	_ =	sdelay $0x4  }
0x1d9: {  	v21 =	vmul.f32 v22, v21;
	_ =	sdelay $0x1  }
0x1da: {  	v22 =	vld [tilespmem:$0x8290];
	[tilespmem:$0x8400] =	vst v21  }
0x1db: {  	v21 =	vld.idx.msk [tilespmem:v14+s18+$0x0], $0xffff;
	_ =	sdelay $0x4  }
0x1dc: {  	v21 =	vmul.f32 v22, v21;
	_ =	sdelay $0x1  }
0x1dd: {  	v22 =	vld [tilespmem:$0x82A0];
	[tilespmem:$0x8410] =	vst v21  }
0x1de: {  	v21 =	vld.idx.msk [tilespmem:v15+s18+$0x0], $0xffff;
	_ =	sdelay $0x4  }
0x1df: {  	v21 =	vmul.f32 v22, v21;
	_ =	sdelay $0x1  }
0x1e0: {  	v22 =	vld [tilespmem:$0x82B0];
	[tilespmem:$0x8420] =	vst v21  }
0x1e1: {  	v21 =	vld.idx.msk [tilespmem:v16+s18+$0x0], $0xffff;
	_ =	sdelay $0x4  }
0x1e2: {  	v21 =	vmul.f32 v22, v21;
	_ =	sdelay $0x1  }
0x1e3: {  	v22 =	vld [tilespmem:$0x82C0];
	[tilespmem:$0x8430] =	vst v21  }
0x1e4: {  	v21 =	vld.idx.msk [tilespmem:v17+s18+$0x0], $0xffff;
	_ =	sdelay $0x4  }
0x1e5: {  	v21 =	vmul.f32 v22, v21;
	_ =	sdelay $0x1  }
0x1e6: {  	v22 =	vld [tilespmem:$0x82D0];
	[tilespmem:$0x8440] =	vst v21  }
0x1e7: {  	v21 =	vld.idx.msk [tilespmem:v18+s18+$0x0], $0xffff;
	_ =	sdelay $0x4  }
0x1e8: {  	v21 =	vmul.f32 v22, v21;
	_ =	sdelay $0x1  }
0x1e9: {  	v22 =	vld [tilespmem:$0x82E0];
	[tilespmem:$0x8450] =	vst v21  }
0x1ea: {  	v21 =	vld.idx.msk [tilespmem:v19+s18+$0x0], $0xffff;
	_ =	sdelay $0x4  }
0x1eb: {  	v21 =	vmul.f32 v22, v21;
	_ =	sdelay $0x1  }
0x1ec: {  	v22 =	vld [tilespmem:$0x82F0];
	[tilespmem:$0x8460] =	vst v21  }
0x1ed: {  	v21 =	vld.idx.msk [tilespmem:v20+s18+$0x0], $0xffff;
	_ =	sdelay $0x4  }
0x1ee: {  	s20 =	sadd.s32 $0x1, s20;
	v21 =	vmul.f32 v22, v21  }
0x1ef: {  	p0 =	sne.s32 s20, s9  }
.Ltmp4:
0x1f0: {  	[tilespmem:$0x8470] =	vst v21;
	(pc) =	sbr.rel @p0 .LBB2_1-.Ltmp4, $4  }
0x1f1: {  	[hbm4b:s8+s10] =	stream.strided.scatter [tilespmem:s19], [sflag:$0x3], $0x100, s11, s10, $0x38;
	[tilespmem:$0x8480] =	vst v63  }
0x1f2: {  	_ =	swait.ge [sflag:s13], $0x100  }
0x1f3: {  	[sflag:s13] =	ssyncset.done $0x0  }
0x1f4: {  	[sflag:s13] =	ssyncadd.s32 $0xFFFFFF00  }
0x1f5: {  	_ =	sfence.sel $0x180000  }
0x1f6: {  	[bflag:$0x0] =	sbarrier.arrive $0xFFFF  }
0x1f7: {  	p0 =	sne.s32 s1, $0x0;
	_ =	strace $0x90000047  }
0x1f8: {  	s0 =	sadd.s32 @!p0 $0x100000, s0;
	[bflag:$0x2] =	sbarrier.arrive $0xFFFF  }
0x1f9: {  	[sflag:s0] =	ssyncadd.tile.s32 @!p0 $0x1;
	_ =	shalt  }
.Lfunc_end2:
_tile_overlayer_lowered:
.L_overlay_start_2:
0x1fa: {  	(tag) =	ssettag $0x2  }
0x1fb: {  	s0 =	rddreg [dreg:$0x0];
	s2 =	stileid.u32  }
0x1fc: {  	s1 =	rddreg [dreg:$0x1];
	p0 =	sne.s32 s2, $0x0  }
0x1fd: {  	s3 =	rddreg [dreg:$0x2];
	[bflag:$0x3] =	sbarrier.arrive $0xFFFF;
	s2 =	simm.s32 @!p0 $0x1C03  }
0x1fe: {  	[timem:s3], [sflag:s2] =	dma.local @!p0 [hbm:s0], s1  }
0x1ff: {  	s0 =	simm.s32 @!p0 $0x3  }
0x200: {  	_ =	swait.ge @!p0 [sflag:s0], s1  }
0x201: {  	s1 =	ssub.s32 @!p0 $0x0, s1;
	[sflag:s0] =	ssyncset.done @!p0 $0x0  }
0x202: {  	[sflag:s0] =	ssyncadd.s32 @!p0 s1  }
0x203: {  	[bflag:$0x3] =	sbarrier.arrive $0xFFFF  }
0x204: {  	_ =	shalt  }

</sc_bundles>
